<compile_context>
chip_gen: v7x
topology: tpu7x:2x2x1
jax: 0.10.2.dev20260603
libtpu: 0.0.44.dev20260713+nightly
codegen_flags: <defaults>
</compile_context>

<pallas_src>
import jax
import jax.numpy as jnp
from jax.experimental import pallas as pl

_N = 2048
_R = 3
_E_TILE = 512
_ROW_TILE = 256


def _agg_kernel(src_ref, dst_ref, et_ref, keep_ref, x_ref, agg_ref, cnt_ref):
    t = pl.program_id(0)

    @pl.when(t == 0)
    def _init():
        agg_ref[...] = jnp.zeros_like(agg_ref)
        cnt_ref[...] = jnp.zeros_like(cnt_ref)

    srow = src_ref[pl.ds(t, 1), :]
    drow = dst_ref[pl.ds(t, 1), :]
    erow = et_ref[pl.ds(t, 1), :]
    krow = keep_ref[pl.ds(t, 1), :]

    ids = jax.lax.broadcasted_iota(jnp.int32, (_N, srow.shape[1]), 0)
    src_oh = ids == srow
    dst_oh = ids == drow
    src_ohT = src_oh.astype(jnp.bfloat16)
    dst_ohT = dst_oh.astype(jnp.bfloat16)
    msg = jax.lax.dot_general(src_ohT, x_ref[...].astype(jnp.bfloat16),
                              (((0,), (0,)), ((), ())),
                              preferred_element_type=jnp.float32)
    msg = msg.astype(jnp.bfloat16)
    for r in range(_R):
        sel = erow == r
        m = jnp.where(sel, krow, 0.0)
        doh = dst_ohT * m.astype(jnp.bfloat16)
        contrib = jnp.dot(doh, msg, preferred_element_type=jnp.float32)
        agg_ref[r] += contrib
        cnt_ref[:, r:r + 1] += jnp.sum(
            dst_oh.astype(jnp.float32) * m, axis=1, keepdims=True)


def _combine_kernel(xin_ref, agg_ref, cnt_ref, w_ref, root_ref, b_ref,
                    g_ref, beta_ref, out_ref):
    z = jnp.dot(xin_ref[...], root_ref[...],
                preferred_element_type=jnp.float32) + b_ref[...]
    for r in range(_R):
        c = jnp.maximum(cnt_ref[:, r:r + 1], 1.0)
        mean_r = agg_ref[r] / c
        z += jnp.dot(mean_r, w_ref[r], preferred_element_type=jnp.float32)
    z = jnp.maximum(z, 0.0)
    mu = jnp.mean(z, axis=1, keepdims=True)
    zc = z - mu
    var = jnp.mean(zc * zc, axis=1, keepdims=True)
    out_ref[...] = zc / jnp.sqrt(var + 1e-5) * g_ref[...] + beta_ref[...]


def _push_kernel(a_ref, h_ref, out_ref):
    t = pl.program_id(0)
    at = a_ref[...]
    h = h_ref[...]
    ht = h_ref[pl.ds(t * _ROW_TILE, _ROW_TILE), :]
    d2 = jnp.sum(at, axis=1, keepdims=True)
    d2 = jnp.where(d2 == 0.0, 1.0, d2)
    prop = jnp.dot(at, h, preferred_element_type=jnp.float32) / d2
    out_ref[...] = 0.9 * ht + 0.1 * prop


def _topk_kernel(x_ref, h_ref, out_ref):
    t = pl.program_id(0)
    k = _N // 2
    xt = x_ref[pl.ds(t * _ROW_TILE, _ROW_TILE), :]
    adj = jax.lax.dot_general(xt, x_ref[...], (((1,), (1,)), ((), ())),
                              preferred_element_type=jnp.float32)
    col = jax.lax.broadcasted_iota(jnp.int32, (_ROW_TILE, _N), 1)
    row = jax.lax.broadcasted_iota(jnp.int32, (_ROW_TILE, _N), 0) + t * _ROW_TILE
    adj = jnp.where(row == col, 0.0, adj)
    deg = jnp.sum(adj, axis=1, keepdims=True)
    deg = jnp.where(deg == 0.0, 1.0, deg)
    p = adj / deg
    u = jax.lax.bitcast_convert_type(p, jnp.int32)
    key = u ^ ((u >> 31) & jnp.int32(0x7FFFFFFF))
    nonneg = key >= 0
    sign_cnt = jnp.sum(nonneg.astype(jnp.int32), axis=1, keepdims=True)
    use_neg = sign_cnt < k
    kk = jnp.where(use_neg, k - sign_cnt, k)
    active = jnp.logical_xor(nonneg, use_neg)
    low = key & jnp.int32(0x7FFFFFFF)
    thr = jnp.zeros((_ROW_TILE, 1), jnp.int32)
    for b in range(30, -1, -1):
        cand = thr | jnp.int32(1 << b)
        ge = jnp.logical_and(active, low >= cand)
        c = jnp.sum(ge.astype(jnp.int32), axis=1, keepdims=True)
        thr = jnp.where(c >= kk, cand, thr)
    tkey = jnp.where(use_neg, thr | jnp.int32(-2147483648), thr)
    sp = jnp.where(key >= tkey, p, 0.0)
    out_ref[...] = jnp.dot(sp, h_ref[...], preferred_element_type=jnp.float32)


def _rgcn_agg(src2, dst2, et2, keep2, xin):
    eb = src2.shape[0]
    n, d = xin.shape
    idx_spec = pl.BlockSpec(src2.shape, lambda t: (0, 0))
    return pl.pallas_call(
        _agg_kernel,
        grid=(eb,),
        in_specs=[idx_spec, idx_spec, idx_spec, idx_spec,
                  pl.BlockSpec((n, d), lambda t: (0, 0))],
        out_specs=[pl.BlockSpec((_R, n, d), lambda t: (0, 0, 0)),
                   pl.BlockSpec((n, 8), lambda t: (0, 0))],
        out_shape=[jax.ShapeDtypeStruct((_R, n, d), jnp.float32),
                   jax.ShapeDtypeStruct((n, 8), jnp.float32)],
    )(src2, dst2, et2, keep2, xin)


def _rgcn_combine(xin, agg, cnt, w, root, b, g, beta):
    n, d = xin.shape
    h = w.shape[2]
    vec = pl.BlockSpec((1, h), lambda t: (0, 0))
    return pl.pallas_call(
        _combine_kernel,
        grid=(n // _ROW_TILE,),
        in_specs=[pl.BlockSpec((_ROW_TILE, d), lambda t: (t, 0)),
                  pl.BlockSpec((_R, _ROW_TILE, d), lambda t: (0, t, 0)),
                  pl.BlockSpec((_ROW_TILE, 8), lambda t: (t, 0)),
                  pl.BlockSpec((_R, d, h), lambda t: (0, 0, 0)),
                  pl.BlockSpec((d, h), lambda t: (0, 0)),
                  vec, vec, vec],
        out_specs=pl.BlockSpec((_ROW_TILE, h), lambda t: (t, 0)),
        out_shape=jax.ShapeDtypeStruct((n, h), jnp.float32),
    )(xin, agg, cnt, w, root, b.reshape(1, h), g.reshape(1, h),
      beta.reshape(1, h))


def _push(a, h):
    n, hd = h.shape
    return pl.pallas_call(
        _push_kernel,
        grid=(n // _ROW_TILE,),
        in_specs=[pl.BlockSpec((_ROW_TILE, n), lambda t: (t, 0)),
                  pl.BlockSpec((n, hd), lambda t: (0, 0))],
        out_specs=pl.BlockSpec((_ROW_TILE, hd), lambda t: (t, 0)),
        out_shape=jax.ShapeDtypeStruct((n, hd), jnp.float32),
    )(a, h)


def _topk_out(x, h):
    n, d = x.shape
    hd = h.shape[1]
    return pl.pallas_call(
        _topk_kernel,
        grid=(n // _ROW_TILE,),
        in_specs=[pl.BlockSpec((n, d), lambda t: (0, 0)),
                  pl.BlockSpec((n, hd), lambda t: (0, 0))],
        out_specs=pl.BlockSpec((_ROW_TILE, hd), lambda t: (t, 0)),
        out_shape=jax.ShapeDtypeStruct((n, hd), jnp.float32),
    )(x, h)


def kernel(x, edge_index, edge_type, W1, root1, b1, g1, beta1,
           W2, root2, b2, g2, beta2):
    x = x.astype(jnp.float32)
    ei = edge_index.astype(jnp.int32)
    et = edge_type.astype(jnp.int32)
    e = ei.shape[1]
    keep = jax.random.bernoulli(jax.random.key(123), 0.9, (e,))
    keepf = keep.astype(jnp.float32)
    src, dst = ei[0], ei[1]

    eb = e // _E_TILE
    src2 = src.reshape(eb, _E_TILE)
    dst2 = dst.reshape(eb, _E_TILE)
    et2 = et.reshape(eb, _E_TILE)
    keep2 = keepf.reshape(eb, _E_TILE)

    a = jnp.zeros((_N, _N), jnp.float32).at[src, dst].max(keepf)

    agg1, cnt = _rgcn_agg(src2, dst2, et2, keep2, x)
    h = _rgcn_combine(x, agg1, cnt, W1, root1, b1, g1, beta1)
    agg2, _ = _rgcn_agg(src2, dst2, et2, keep2, h)
    h = _rgcn_combine(h, agg2, cnt, W2, root2, b2, g2, beta2)
    for _ in range(3):
        h = _push(a, h)
    return _topk_out(x, h)

# --- scband reference (transcript-rebuilt; emitter-appended) ---
"""Pipeline reference for scband-grnn-257698038354 (READ-ONLY COPY).

The authoritative reference and input builder live on the scoring server;
editing this copy changes nothing except your own understanding.
"""

import jax, jax.numpy as jnp
import numpy as np

N = 2048
D = 256
H = 256
E = 2048 * 16
R = 3


def setup_inputs(seed: int = 0) -> dict:
    key = jax.random.key(seed)
    ks = jax.random.split(key, 16)
    inp = {
        "x": jax.random.normal(ks[0], (N, D), dtype=jnp.float32),
        "edge_index": jax.random.randint(ks[1], (2, E), 0, N, dtype=jnp.int64) if jax.config.read("jax_enable_x64") else jax.random.randint(ks[1], (2, E), 0, N, dtype=jnp.int32),
        "edge_type": jax.random.randint(ks[2], (E,), 0, R, dtype=jnp.int32),
        # RGCNConv layer 1 params (per-relation weight, root weight, bias)
        "W1": jax.random.normal(ks[3], (R, D, H), dtype=jnp.float32) * 0.05,
        "root1": jax.random.normal(ks[4], (D, H), dtype=jnp.float32) * 0.05,
        "b1": jnp.zeros((H,), dtype=jnp.float32),
        # LayerNorm 1
        "g1": jnp.ones((H,), dtype=jnp.float32),
        "beta1": jnp.zeros((H,), dtype=jnp.float32),
        # RGCNConv layer 2 params
        "W2": jax.random.normal(ks[5], (R, H, H), dtype=jnp.float32) * 0.05,
        "root2": jax.random.normal(ks[6], (H, H), dtype=jnp.float32) * 0.05,
        "b2": jnp.zeros((H,), dtype=jnp.float32),
        # LayerNorm 2
        "g2": jnp.ones((H,), dtype=jnp.float32),
        "beta2": jnp.zeros((H,), dtype=jnp.float32),
    }
    return inp


def _layer_norm(x, g, b, eps=1e-5):
    mu = jnp.mean(x, axis=-1, keepdims=True)
    var = jnp.var(x, axis=-1, keepdims=True)
    return (x - mu) / jnp.sqrt(var + eps) * g + b


def _rgcn(x, ei, et, W, root, bias):
    # PyG RGCNConv with default aggr='mean': out_i = x_i @ root + bias
    #   + sum_r mean_{j in N_r(i)} (x_j @ W_r)
    src, dst = ei[0], ei[1]
    out = x @ root + bias
    for r in range(R):
        m = (et == r).astype(x.dtype)
        msg = jnp.take(x, src, axis=0) * m[:, None]
        agg = jax.ops.segment_sum(msg, dst, num_segments=N)
        cnt = jax.ops.segment_sum(m, dst, num_segments=N)
        cnt = jnp.maximum(cnt, 1.0)
        out = out + (agg / cnt[:, None]) @ W[r]
    return out


def reference(x, edge_index, edge_type, W1, root1, b1, g1, beta1, W2, root2, b2, g2, beta2):
    # Edge dropout (torch.bernoulli p=0.9 keep) -- deterministic key for reproducibility.
    keep = jax.random.bernoulli(jax.random.key(123), 0.9, (edge_index.shape[1],))
    ei = edge_index
    et = jnp.where(keep, edge_type, jnp.full_like(edge_type, -1))

    # compute_adjacency_matrix: dense x @ x.T with zero diagonal.
    adj = x @ x.T
    adj = adj * (1.0 - jnp.eye(N, dtype=x.dtype))
    deg = jnp.sum(adj, axis=1, keepdims=True)
    deg = jnp.where(deg == 0, jnp.ones_like(deg), deg)
    # compute_gfpush_matrix: the push loop executes exactly once per node
    # (residual becomes 0 after zeroing the seed entry), so the propagation
    # matrix equals the row-normalized adjacency.
    P = adj / deg
    # Top-k sparsification: keep top int(0.5*N) entries per row, zero the rest.
    k = int(0.5 * N)
    vals, idx = jax.lax.top_k(P, k)
    rows = jnp.arange(N)[:, None]
    sparseP = jnp.zeros_like(P).at[rows, idx].set(vals)

    h = _layer_norm(jax.nn.relu(_rgcn(x, ei, et, W1, root1, b1)), g1, beta1)
    # nn.Dropout in eval mode -> identity
    h = _layer_norm(jax.nn.relu(_rgcn(h, ei, et, W2, root2, b2)), g2, beta2)

    # forward_push: binary adjacency from (dropped) edges, row-normalized.
    A = jnp.zeros((N, N), dtype=x.dtype).at[ei[0], ei[1]].max(keep.astype(x.dtype))
    d2 = jnp.sum(A, axis=1, keepdims=True)
    d2 = jnp.where(d2 == 0, jnp.ones_like(d2), d2)
    A = A / d2
    alpha = 0.1
    for _ in range(3):
        h = h * (1.0 - alpha) + alpha * (A @ h)

    return sparseP @ h

if __name__ == "__main__":
    import jax
    _d = setup_inputs()
    print(jax.jit(kernel)(*tuple(_d.values())))

</pallas_src>

<mosaic_0001>
module attributes {stable_mosaic.version = 14 : i64} {
  func.func @_agg_kernel(%arg0: i32, %arg1: memref<64x512xi32, #tpu.memory_space<vmem>>, %arg2: memref<64x512xi32, #tpu.memory_space<vmem>>, %arg3: memref<64x512xi32, #tpu.memory_space<vmem>>, %arg4: memref<64x512xf32, #tpu.memory_space<vmem>>, %arg5: memref<2048x256xf32, #tpu.memory_space<vmem>>, %arg6: memref<3x2048x256xf32, #tpu.memory_space<vmem>>, %arg7: memref<2048x8xf32, #tpu.memory_space<vmem>>) attributes {dimension_semantics = [#tpu.dimension_semantics<arbitrary>], iteration_bounds = array<i64: 64>, scalar_prefetch = 0 : i64, scratch_operands = 0 : i64, tpu.core_type = #tpu.core_type<tc>, window_params = [{pipeline_mode = #tpu.pipeline_mode<synchronous>, transform_indices = @transform_0, window_bounds = array<i64: 64, 512>}, {pipeline_mode = #tpu.pipeline_mode<synchronous>, transform_indices = @transform_1, window_bounds = array<i64: 64, 512>}, {pipeline_mode = #tpu.pipeline_mode<synchronous>, transform_indices = @transform_2, window_bounds = array<i64: 64, 512>}, {pipeline_mode = #tpu.pipeline_mode<synchronous>, transform_indices = @transform_3, window_bounds = array<i64: 64, 512>}, {pipeline_mode = #tpu.pipeline_mode<synchronous>, transform_indices = @transform_4, window_bounds = array<i64: 2048, 256>}, {pipeline_mode = #tpu.pipeline_mode<synchronous>, transform_indices = @transform_5, window_bounds = array<i64: 3, 2048, 256>}, {pipeline_mode = #tpu.pipeline_mode<synchronous>, transform_indices = @transform_6, window_bounds = array<i64: 2048, 8>}]} {
    %eq3A = arith.constant 0 : i32
    %eq3A_0 = arith.cmpi eq, %arg0, %eq3A : i32
    %convert_element_type3A = arith.extui %eq3A_0 : i1 to i32
    %cond3A = arith.constant 0 : i32
    %cond3A_1 = arith.cmpi ne, %convert_element_type3A, %cond3A : i32
    scf.if %cond3A_1 {
      %broadcast_in_dim3A_133 = arith.constant 0.000000e+00 : f32
      %broadcast_in_dim3A_134 = vector.broadcast %broadcast_in_dim3A_133 : f32 to vector<3x2048x256xf32>
      %swap3A_135 = arith.constant 0 : index
      %swap3A_136 = arith.constant 0 : index
      %swap3A_137 = arith.constant 0 : index
      %swap3A_138 = vector.load %arg6[%swap3A_135, %swap3A_136, %swap3A_137] : memref<3x2048x256xf32, #tpu.memory_space<vmem>>, vector<3x2048x256xf32>
      tpu.vector_store %arg6[%swap3A_135, %swap3A_136, %swap3A_137], %broadcast_in_dim3A_134 {strides = array<i32>} : memref<3x2048x256xf32, #tpu.memory_space<vmem>>, vector<3x2048x256xf32>,
      %broadcast_in_dim3A_139 = arith.constant 0.000000e+00 : f32
      %broadcast_in_dim3A_140 = vector.broadcast %broadcast_in_dim3A_139 : f32 to vector<2048x8xf32>
      %swap3A_141 = arith.constant 0 : index
      %swap3A_142 = arith.constant 0 : index
      %swap3A_143 = vector.load %arg7[%swap3A_141, %swap3A_142] : memref<2048x8xf32, #tpu.memory_space<vmem>>, vector<2048x8xf32>
      tpu.vector_store %arg7[%swap3A_141, %swap3A_142], %broadcast_in_dim3A_140 {strides = array<i32>} : memref<2048x8xf32, #tpu.memory_space<vmem>>, vector<2048x8xf32>,
    } else {
    }
    %get3A = arith.index_cast %arg0 : i32 to index
    %get3A_2 = arith.constant 0 : index
    %get3A_3 = vector.load %arg1[%get3A, %get3A_2] : memref<64x512xi32, #tpu.memory_space<vmem>>, vector<1x512xi32>
    %get3A_4 = arith.index_cast %arg0 : i32 to index
    %get3A_5 = arith.constant 0 : index
    %get3A_6 = vector.load %arg2[%get3A_4, %get3A_5] : memref<64x512xi32, #tpu.memory_space<vmem>>, vector<1x512xi32>
    %get3A_7 = arith.index_cast %arg0 : i32 to index
    %get3A_8 = arith.constant 0 : index
    %get3A_9 = vector.load %arg3[%get3A_7, %get3A_8] : memref<64x512xi32, #tpu.memory_space<vmem>>, vector<1x512xi32>
    %get3A_10 = arith.index_cast %arg0 : i32 to index
    %get3A_11 = arith.constant 0 : index
    %get3A_12 = vector.load %arg4[%get3A_10, %get3A_11] : memref<64x512xf32, #tpu.memory_space<vmem>>, vector<1x512xf32>
    %iota3A = tpu.iota {dimensions = array<i32: 0>} : vector<2048x512xi32>
    %eq3A_13 = vector.broadcast %get3A_3 : vector<1x512xi32> to vector<2048x512xi32>
    %eq3A_14 = arith.cmpi eq, %iota3A, %eq3A_13 : vector<2048x512xi32>
    %eq3A_15 = vector.broadcast %get3A_6 : vector<1x512xi32> to vector<2048x512xi32>
    %eq3A_16 = arith.cmpi eq, %iota3A, %eq3A_15 : vector<2048x512xi32>
    %convert_element_type3A_17 = arith.extui %eq3A_14 : vector<2048x512xi1> to vector<2048x512xi32>
    %convert_element_type3A_18 = arith.sitofp %convert_element_type3A_17 : vector<2048x512xi32> to vector<2048x512xf32>
    %convert_element_type3A_19 = arith.truncf %convert_element_type3A_18 : vector<2048x512xf32> to vector<2048x512xbf16>
    %convert_element_type3A_20 = arith.extui %eq3A_16 : vector<2048x512xi1> to vector<2048x512xi32>
    %convert_element_type3A_21 = arith.sitofp %convert_element_type3A_20 : vector<2048x512xi32> to vector<2048x512xf32>
    %convert_element_type3A_22 = arith.truncf %convert_element_type3A_21 : vector<2048x512xf32> to vector<2048x512xbf16>
    %get3A_23 = arith.constant 0 : index
    %get3A_24 = arith.constant 0 : index
    %get3A_25 = vector.load %arg5[%get3A_23, %get3A_24] : memref<2048x256xf32, #tpu.memory_space<vmem>>, vector<2048x256xf32>
    %convert_element_type3A_26 = arith.truncf %get3A_25 : vector<2048x256xf32> to vector<2048x256xbf16>
    %dot_general3A = arith.constant dense<0.000000e+00> : vector<512x256xf32>
    %dot_general3A_27 = tpu.matmul %convert_element_type3A_19, %convert_element_type3A_26, %dot_general3A {dimension_numbers = #tpu.dot_dimension_numbers<[0], [0], [1], [1], [0, 1, 1, 1], [], []>, transpose_lhs_hint = false} : vector<2048x512xbf16>, vector<2048x256xbf16>, vector<512x256xf32> -> vector<512x256xf32>
    %convert_element_type3A_28 = arith.truncf %dot_general3A_27 : vector<512x256xf32> to vector<512x256xbf16>
    %eq3A_29 = arith.constant 0 : i32
    %eq3A_30 = vector.broadcast %eq3A_29 : i32 to vector<1x512xi32>
    %eq3A_31 = arith.cmpi eq, %get3A_9, %eq3A_30 : vector<1x512xi32>
    %jit3A = arith.constant 0.000000e+00 : f32
    %broadcast_in_dim3A = vector.broadcast %jit3A : f32 to vector<1x512xf32>
    %select_n3A = arith.select %eq3A_31, %get3A_12, %broadcast_in_dim3A : vector<1x512xi1>, vector<1x512xf32>
    %convert_element_type3A_32 = arith.truncf %select_n3A : vector<1x512xf32> to vector<1x512xbf16>
    %mul3A = vector.broadcast %convert_element_type3A_32 : vector<1x512xbf16> to vector<2048x512xbf16>
    %mul3A_33 = arith.mulf %convert_element_type3A_22, %mul3A : vector<2048x512xbf16>
    %dot_general3A_34 = arith.constant dense<0.000000e+00> : vector<2048x256xf32>
    %dot_general3A_35 = tpu.matmul %mul3A_33, %convert_element_type3A_28, %dot_general3A_34 {dimension_numbers = #tpu.dot_dimension_numbers<[1], [0], [0], [1], [0, 0, 1, 1], [], []>, transpose_lhs_hint = false} : vector<2048x512xbf16>, vector<512x256xbf16>, vector<2048x256xf32> -> vector<2048x256xf32>
    %get3A_36 = arith.constant 0 : index
    %get3A_37 = arith.constant 0 : index
    %get3A_38 = arith.constant 0 : index
    %get3A_39 = vector.load %arg6[%get3A_36, %get3A_37, %get3A_38] : memref<3x2048x256xf32, #tpu.memory_space<vmem>>, vector<1x2048x256xf32>
    %get3A_40 = vector.shape_cast %get3A_39 : vector<1x2048x256xf32> to vector<2048x256xf32>
    %add3A = arith.addf %get3A_40, %dot_general3A_35 : vector<2048x256xf32>
    %swap3A = arith.constant 0 : index
    %swap3A_41 = arith.constant 0 : index
    %swap3A_42 = arith.constant 0 : index
    %swap3A_43 = vector.load %arg6[%swap3A, %swap3A_41, %swap3A_42] : memref<3x2048x256xf32, #tpu.memory_space<vmem>>, vector<1x2048x256xf32>
    %swap3A_44 = vector.shape_cast %swap3A_43 : vector<1x2048x256xf32> to vector<2048x256xf32>
    %swap3A_45 = vector.shape_cast %add3A : vector<2048x256xf32> to vector<1x2048x256xf32>
    tpu.vector_store %arg6[%swap3A, %swap3A_41, %swap3A_42], %swap3A_45 {strides = array<i32>} : memref<3x2048x256xf32, #tpu.memory_space<vmem>>, vector<1x2048x256xf32>,
    %get3A_46 = arith.constant 0 : index
    %get3A_47 = arith.constant 0 : index
    %get3A_48 = vector.load %arg7[%get3A_46, %get3A_47] : memref<2048x8xf32, #tpu.memory_space<vmem>>, vector<2048x1xf32>
    %convert_element_type3A_49 = arith.extui %eq3A_16 : vector<2048x512xi1> to vector<2048x512xi32>
    %convert_element_type3A_50 = arith.sitofp %convert_element_type3A_49 : vector<2048x512xi32> to vector<2048x512xf32>
    %mul3A_51 = vector.broadcast %select_n3A : vector<1x512xf32> to vector<2048x512xf32>
    %mul3A_52 = arith.mulf %convert_element_type3A_50, %mul3A_51 : vector<2048x512xf32>
    %reduce_sum3A = arith.constant dense<0.000000e+00> : vector<2048xf32>
    %reduce_sum3A_53 = vector.multi_reduction <add>, %mul3A_52, %reduce_sum3A [1] : vector<2048x512xf32> to vector<2048xf32>
    %broadcast_in_dim3A_54 = vector.shape_cast %reduce_sum3A_53 : vector<2048xf32> to vector<2048x1xf32>
    %add3A_55 = arith.addf %get3A_48, %broadcast_in_dim3A_54 : vector<2048x1xf32>
    %swap3A_56 = arith.constant 0 : index
    %swap3A_57 = arith.constant 0 : index
    %swap3A_58 = vector.load %arg7[%swap3A_56, %swap3A_57] : memref<2048x8xf32, #tpu.memory_space<vmem>>, vector<2048x1xf32>
    tpu.vector_store %arg7[%swap3A_56, %swap3A_57], %add3A_55 {strides = array<i32>} : memref<2048x8xf32, #tpu.memory_space<vmem>>, vector<2048x1xf32>,
    %eq3A_59 = arith.constant 1 : i32
    %eq3A_60 = vector.broadcast %eq3A_59 : i32 to vector<1x512xi32>
    %eq3A_61 = arith.cmpi eq, %get3A_9, %eq3A_60 : vector<1x512xi32>
    %jit3A_62 = arith.constant 0.000000e+00 : f32
    %broadcast_in_dim3A_63 = vector.broadcast %jit3A_62 : f32 to vector<1x512xf32>
    %select_n3A_64 = arith.select %eq3A_61, %get3A_12, %broadcast_in_dim3A_63 : vector<1x512xi1>, vector<1x512xf32>
    %convert_element_type3A_65 = arith.truncf %select_n3A_64 : vector<1x512xf32> to vector<1x512xbf16>
    %mul3A_66 = vector.broadcast %convert_element_type3A_65 : vector<1x512xbf16> to vector<2048x512xbf16>
    %mul3A_67 = arith.mulf %convert_element_type3A_22, %mul3A_66 : vector<2048x512xbf16>
    %dot_general3A_68 = arith.constant dense<0.000000e+00> : vector<2048x256xf32>
    %dot_general3A_69 = tpu.matmul %mul3A_67, %convert_element_type3A_28, %dot_general3A_68 {dimension_numbers = #tpu.dot_dimension_numbers<[1], [0], [0], [1], [0, 0, 1, 1], [], []>, transpose_lhs_hint = false} : vector<2048x512xbf16>, vector<512x256xbf16>, vector<2048x256xf32> -> vector<2048x256xf32>
    %get3A_70 = arith.constant 1 : index
    %get3A_71 = arith.constant 0 : index
    %get3A_72 = arith.constant 0 : index
    %get3A_73 = vector.load %arg6[%get3A_70, %get3A_71, %get3A_72] : memref<3x2048x256xf32, #tpu.memory_space<vmem>>, vector<1x2048x256xf32>
    %get3A_74 = vector.shape_cast %get3A_73 : vector<1x2048x256xf32> to vector<2048x256xf32>
    %add3A_75 = arith.addf %get3A_74, %dot_general3A_69 : vector<2048x256xf32>
    %swap3A_76 = arith.constant 1 : index
    %swap3A_77 = arith.constant 0 : index
    %swap3A_78 = arith.constant 0 : index
    %swap3A_79 = vector.load %arg6[%swap3A_76, %swap3A_77, %swap3A_78] : memref<3x2048x256xf32, #tpu.memory_space<vmem>>, vector<1x2048x256xf32>
    %swap3A_80 = vector.shape_cast %swap3A_79 : vector<1x2048x256xf32> to vector<2048x256xf32>
    %swap3A_81 = vector.shape_cast %add3A_75 : vector<2048x256xf32> to vector<1x2048x256xf32>
    tpu.vector_store %arg6[%swap3A_76, %swap3A_77, %swap3A_78], %swap3A_81 {strides = array<i32>} : memref<3x2048x256xf32, #tpu.memory_space<vmem>>, vector<1x2048x256xf32>,
    %get3A_82 = arith.constant 0 : index
    %get3A_83 = arith.constant 1 : index
    %get3A_84 = vector.load %arg7[%get3A_82, %get3A_83] : memref<2048x8xf32, #tpu.memory_space<vmem>>, vector<2048x1xf32>
    %convert_element_type3A_85 = arith.extui %eq3A_16 : vector<2048x512xi1> to vector<2048x512xi32>
    %convert_element_type3A_86 = arith.sitofp %convert_element_type3A_85 : vector<2048x512xi32> to vector<2048x512xf32>
    %mul3A_87 = vector.broadcast %select_n3A_64 : vector<1x512xf32> to vector<2048x512xf32>
    %mul3A_88 = arith.mulf %convert_element_type3A_86, %mul3A_87 : vector<2048x512xf32>
    %reduce_sum3A_89 = arith.constant dense<0.000000e+00> : vector<2048xf32>
    %reduce_sum3A_90 = vector.multi_reduction <add>, %mul3A_88, %reduce_sum3A_89 [1] : vector<2048x512xf32> to vector<2048xf32>
    %broadcast_in_dim3A_91 = vector.shape_cast %reduce_sum3A_90 : vector<2048xf32> to vector<2048x1xf32>
    %add3A_92 = arith.addf %get3A_84, %broadcast_in_dim3A_91 : vector<2048x1xf32>
    %swap3A_93 = arith.constant 0 : index
    %swap3A_94 = arith.constant 1 : index
    %swap3A_95 = vector.load %arg7[%swap3A_93, %swap3A_94] : memref<2048x8xf32, #tpu.memory_space<vmem>>, vector<2048x1xf32>
    tpu.vector_store %arg7[%swap3A_93, %swap3A_94], %add3A_92 {strides = array<i32>} : memref<2048x8xf32, #tpu.memory_space<vmem>>, vector<2048x1xf32>,
    %eq3A_96 = arith.constant 2 : i32
    %eq3A_97 = vector.broadcast %eq3A_96 : i32 to vector<1x512xi32>
    %eq3A_98 = arith.cmpi eq, %get3A_9, %eq3A_97 : vector<1x512xi32>
    %jit3A_99 = arith.constant 0.000000e+00 : f32
    %broadcast_in_dim3A_100 = vector.broadcast %jit3A_99 : f32 to vector<1x512xf32>
    %select_n3A_101 = arith.select %eq3A_98, %get3A_12, %broadcast_in_dim3A_100 : vector<1x512xi1>, vector<1x512xf32>
    %convert_element_type3A_102 = arith.truncf %select_n3A_101 : vector<1x512xf32> to vector<1x512xbf16>
    %mul3A_103 = vector.broadcast %convert_element_type3A_102 : vector<1x512xbf16> to vector<2048x512xbf16>
    %mul3A_104 = arith.mulf %convert_element_type3A_22, %mul3A_103 : vector<2048x512xbf16>
    %dot_general3A_105 = arith.constant dense<0.000000e+00> : vector<2048x256xf32>
    %dot_general3A_106 = tpu.matmul %mul3A_104, %convert_element_type3A_28, %dot_general3A_105 {dimension_numbers = #tpu.dot_dimension_numbers<[1], [0], [0], [1], [0, 0, 1, 1], [], []>, transpose_lhs_hint = false} : vector<2048x512xbf16>, vector<512x256xbf16>, vector<2048x256xf32> -> vector<2048x256xf32>
    %get3A_107 = arith.constant 2 : index
    %get3A_108 = arith.constant 0 : index
    %get3A_109 = arith.constant 0 : index
    %get3A_110 = vector.load %arg6[%get3A_107, %get3A_108, %get3A_109] : memref<3x2048x256xf32, #tpu.memory_space<vmem>>, vector<1x2048x256xf32>
    %get3A_111 = vector.shape_cast %get3A_110 : vector<1x2048x256xf32> to vector<2048x256xf32>
    %add3A_112 = arith.addf %get3A_111, %dot_general3A_106 : vector<2048x256xf32>
    %swap3A_113 = arith.constant 2 : index
    %swap3A_114 = arith.constant 0 : index
    %swap3A_115 = arith.constant 0 : index
    %swap3A_116 = vector.load %arg6[%swap3A_113, %swap3A_114, %swap3A_115] : memref<3x2048x256xf32, #tpu.memory_space<vmem>>, vector<1x2048x256xf32>
    %swap3A_117 = vector.shape_cast %swap3A_116 : vector<1x2048x256xf32> to vector<2048x256xf32>
    %swap3A_118 = vector.shape_cast %add3A_112 : vector<2048x256xf32> to vector<1x2048x256xf32>
    tpu.vector_store %arg6[%swap3A_113, %swap3A_114, %swap3A_115], %swap3A_118 {strides = array<i32>} : memref<3x2048x256xf32, #tpu.memory_space<vmem>>, vector<1x2048x256xf32>,
    %get3A_119 = arith.constant 0 : index
    %get3A_120 = arith.constant 2 : index
    %get3A_121 = vector.load %arg7[%get3A_119, %get3A_120] : memref<2048x8xf32, #tpu.memory_space<vmem>>, vector<2048x1xf32>
    %convert_element_type3A_122 = arith.extui %eq3A_16 : vector<2048x512xi1> to vector<2048x512xi32>
    %convert_element_type3A_123 = arith.sitofp %convert_element_type3A_122 : vector<2048x512xi32> to vector<2048x512xf32>
    %mul3A_124 = vector.broadcast %select_n3A_101 : vector<1x512xf32> to vector<2048x512xf32>
    %mul3A_125 = arith.mulf %convert_element_type3A_123, %mul3A_124 : vector<2048x512xf32>
    %reduce_sum3A_126 = arith.constant dense<0.000000e+00> : vector<2048xf32>
    %reduce_sum3A_127 = vector.multi_reduction <add>, %mul3A_125, %reduce_sum3A_126 [1] : vector<2048x512xf32> to vector<2048xf32>
    %broadcast_in_dim3A_128 = vector.shape_cast %reduce_sum3A_127 : vector<2048xf32> to vector<2048x1xf32>
    %add3A_129 = arith.addf %get3A_121, %broadcast_in_dim3A_128 : vector<2048x1xf32>
    %swap3A_130 = arith.constant 0 : index
    %swap3A_131 = arith.constant 2 : index
    %swap3A_132 = vector.load %arg7[%swap3A_130, %swap3A_131] : memref<2048x8xf32, #tpu.memory_space<vmem>>, vector<2048x1xf32>
    tpu.vector_store %arg7[%swap3A_130, %swap3A_131], %add3A_129 {strides = array<i32>} : memref<2048x8xf32, #tpu.memory_space<vmem>>, vector<2048x1xf32>,
    return
  }
  func.func @transform_0(%arg0: i32) -> (i32, i32) {
    %c0_i32 = arith.constant 0 : i32
    %c0_i32_0 = arith.constant 0 : i32
    %c0_i32_1 = arith.constant 0 : i32
    return %c0_i32, %c0_i32_0 : i32, i32
  }
  func.func @transform_1(%arg0: i32) -> (i32, i32) {
    %c0_i32 = arith.constant 0 : i32
    %c0_i32_0 = arith.constant 0 : i32
    %c0_i32_1 = arith.constant 0 : i32
    return %c0_i32, %c0_i32_0 : i32, i32
  }
  func.func @transform_2(%arg0: i32) -> (i32, i32) {
    %c0_i32 = arith.constant 0 : i32
    %c0_i32_0 = arith.constant 0 : i32
    %c0_i32_1 = arith.constant 0 : i32
    return %c0_i32, %c0_i32_0 : i32, i32
  }
  func.func @transform_3(%arg0: i32) -> (i32, i32) {
    %c0_i32 = arith.constant 0 : i32
    %c0_i32_0 = arith.constant 0 : i32
    %c0_i32_1 = arith.constant 0 : i32
    return %c0_i32, %c0_i32_0 : i32, i32
  }
  func.func @transform_4(%arg0: i32) -> (i32, i32) {
    %c0_i32 = arith.constant 0 : i32
    %c0_i32_0 = arith.constant 0 : i32
    %c0_i32_1 = arith.constant 0 : i32
    return %c0_i32, %c0_i32_0 : i32, i32
  }
  func.func @transform_5(%arg0: i32) -> (i32, i32, i32) {
    %c0_i32 = arith.constant 0 : i32
    %c0_i32_0 = arith.constant 0 : i32
    %c0_i32_1 = arith.constant 0 : i32
    %c0_i32_2 = arith.constant 0 : i32
    return %c0_i32, %c0_i32_0, %c0_i32_1 : i32, i32, i32
  }
  func.func @transform_6(%arg0: i32) -> (i32, i32) {
    %c0_i32 = arith.constant 0 : i32
    %c0_i32_0 = arith.constant 0 : i32
    %c0_i32_1 = arith.constant 0 : i32
    return %c0_i32, %c0_i32_0 : i32, i32
  }
}

module attributes {stable_mosaic.version = 14 : i64} {
  func.func @_combine_kernel(%arg0: i32, %arg1: memref<256x256xf32, #tpu.memory_space<vmem>>, %arg2: memref<3x256x256xf32, #tpu.memory_space<vmem>>, %arg3: memref<256x8xf32, #tpu.memory_space<vmem>>, %arg4: memref<3x256x256xf32, #tpu.memory_space<vmem>>, %arg5: memref<256x256xf32, #tpu.memory_space<vmem>>, %arg6: memref<1x256xf32, #tpu.memory_space<vmem>>, %arg7: memref<1x256xf32, #tpu.memory_space<vmem>>, %arg8: memref<1x256xf32, #tpu.memory_space<vmem>>, %arg9: memref<256x256xf32, #tpu.memory_space<vmem>>) attributes {dimension_semantics = [#tpu.dimension_semantics<arbitrary>], iteration_bounds = array<i64: 8>, scalar_prefetch = 0 : i64, scratch_operands = 0 : i64, tpu.core_type = #tpu.core_type<tc>, window_params = [{transform_indices = @transform_0, window_bounds = array<i64: 256, 256>}, {transform_indices = @transform_1, window_bounds = array<i64: 3, 256, 256>}, {transform_indices = @transform_2, window_bounds = array<i64: 256, 8>}, {pipeline_mode = #tpu.pipeline_mode<synchronous>, transform_indices = @transform_3, window_bounds = array<i64: 3, 256, 256>}, {pipeline_mode = #tpu.pipeline_mode<synchronous>, transform_indices = @transform_4, window_bounds = array<i64: 256, 256>}, {pipeline_mode = #tpu.pipeline_mode<synchronous>, transform_indices = @transform_5, window_bounds = array<i64: 1, 256>}, {pipeline_mode = #tpu.pipeline_mode<synchronous>, transform_indices = @transform_6, window_bounds = array<i64: 1, 256>}, {pipeline_mode = #tpu.pipeline_mode<synchronous>, transform_indices = @transform_7, window_bounds = array<i64: 1, 256>}, {transform_indices = @transform_8, window_bounds = array<i64: 256, 256>}]} {
    %get3A = arith.constant 0 : index
    %get3A_0 = arith.constant 0 : index
    %get3A_1 = vector.load %arg1[%get3A, %get3A_0] : memref<256x256xf32, #tpu.memory_space<vmem>>, vector<256x256xf32>
    %get3A_2 = arith.constant 0 : index
    %get3A_3 = arith.constant 0 : index
    %get3A_4 = vector.load %arg5[%get3A_2, %get3A_3] : memref<256x256xf32, #tpu.memory_space<vmem>>, vector<256x256xf32>
    %dot_general3A = arith.constant dense<0.000000e+00> : vector<256x256xf32>
    %dot_general3A_5 = tpu.matmul %get3A_1, %get3A_4, %dot_general3A {dimension_numbers = #tpu.dot_dimension_numbers<[1], [0], [0], [1], [0, 0, 1, 1], [], []>, transpose_lhs_hint = false} : vector<256x256xf32>, vector<256x256xf32>, vector<256x256xf32> -> vector<256x256xf32>
    %get3A_6 = arith.constant 0 : index
    %get3A_7 = arith.constant 0 : index
    %get3A_8 = vector.load %arg6[%get3A_6, %get3A_7] : memref<1x256xf32, #tpu.memory_space<vmem>>, vector<1x256xf32>
    %add3A = vector.broadcast %get3A_8 : vector<1x256xf32> to vector<256x256xf32>
    %add3A_9 = arith.addf %dot_general3A_5, %add3A : vector<256x256xf32>
    %get3A_10 = arith.constant 0 : index
    %get3A_11 = arith.constant 0 : index
    %get3A_12 = vector.load %arg3[%get3A_10, %get3A_11] : memref<256x8xf32, #tpu.memory_space<vmem>>, vector<256x1xf32>
    %max3A = arith.constant 1.000000e+00 : f32
    %max3A_13 = vector.broadcast %max3A : f32 to vector<256x1xf32>
    %max3A_14 = arith.maximumf %get3A_12, %max3A_13 : vector<256x1xf32>
    %get3A_15 = arith.constant 0 : index
    %get3A_16 = arith.constant 0 : index
    %get3A_17 = arith.constant 0 : index
    %get3A_18 = vector.load %arg2[%get3A_15, %get3A_16, %get3A_17] : memref<3x256x256xf32, #tpu.memory_space<vmem>>, vector<1x256x256xf32>
    %get3A_19 = vector.shape_cast %get3A_18 : vector<1x256x256xf32> to vector<256x256xf32>
    %div3A = vector.broadcast %max3A_14 : vector<256x1xf32> to vector<256x256xf32>
    %div3A_20 = arith.divf %get3A_19, %div3A : vector<256x256xf32>
    %get3A_21 = arith.constant 0 : index
    %get3A_22 = arith.constant 0 : index
    %get3A_23 = arith.constant 0 : index
    %get3A_24 = vector.load %arg4[%get3A_21, %get3A_22, %get3A_23] : memref<3x256x256xf32, #tpu.memory_space<vmem>>, vector<1x256x256xf32>
    %get3A_25 = vector.shape_cast %get3A_24 : vector<1x256x256xf32> to vector<256x256xf32>
    %dot_general3A_26 = arith.constant dense<0.000000e+00> : vector<256x256xf32>
    %dot_general3A_27 = tpu.matmul %div3A_20, %get3A_25, %dot_general3A_26 {dimension_numbers = #tpu.dot_dimension_numbers<[1], [0], [0], [1], [0, 0, 1, 1], [], []>, transpose_lhs_hint = false} : vector<256x256xf32>, vector<256x256xf32>, vector<256x256xf32> -> vector<256x256xf32>
    %add3A_28 = arith.addf %add3A_9, %dot_general3A_27 : vector<256x256xf32>
    %get3A_29 = arith.constant 0 : index
    %get3A_30 = arith.constant 1 : index
    %get3A_31 = vector.load %arg3[%get3A_29, %get3A_30] : memref<256x8xf32, #tpu.memory_space<vmem>>, vector<256x1xf32>
    %max3A_32 = arith.constant 1.000000e+00 : f32
    %max3A_33 = vector.broadcast %max3A_32 : f32 to vector<256x1xf32>
    %max3A_34 = arith.maximumf %get3A_31, %max3A_33 : vector<256x1xf32>
    %get3A_35 = arith.constant 1 : index
    %get3A_36 = arith.constant 0 : index
    %get3A_37 = arith.constant 0 : index
    %get3A_38 = vector.load %arg2[%get3A_35, %get3A_36, %get3A_37] : memref<3x256x256xf32, #tpu.memory_space<vmem>>, vector<1x256x256xf32>
    %get3A_39 = vector.shape_cast %get3A_38 : vector<1x256x256xf32> to vector<256x256xf32>
    %div3A_40 = vector.broadcast %max3A_34 : vector<256x1xf32> to vector<256x256xf32>
    %div3A_41 = arith.divf %get3A_39, %div3A_40 : vector<256x256xf32>
    %get3A_42 = arith.constant 1 : index
    %get3A_43 = arith.constant 0 : index
    %get3A_44 = arith.constant 0 : index
    %get3A_45 = vector.load %arg4[%get3A_42, %get3A_43, %get3A_44] : memref<3x256x256xf32, #tpu.memory_space<vmem>>, vector<1x256x256xf32>
    %get3A_46 = vector.shape_cast %get3A_45 : vector<1x256x256xf32> to vector<256x256xf32>
    %dot_general3A_47 = arith.constant dense<0.000000e+00> : vector<256x256xf32>
    %dot_general3A_48 = tpu.matmul %div3A_41, %get3A_46, %dot_general3A_47 {dimension_numbers = #tpu.dot_dimension_numbers<[1], [0], [0], [1], [0, 0, 1, 1], [], []>, transpose_lhs_hint = false} : vector<256x256xf32>, vector<256x256xf32>, vector<256x256xf32> -> vector<256x256xf32>
    %add3A_49 = arith.addf %add3A_28, %dot_general3A_48 : vector<256x256xf32>
    %get3A_50 = arith.constant 0 : index
    %get3A_51 = arith.constant 2 : index
    %get3A_52 = vector.load %arg3[%get3A_50, %get3A_51] : memref<256x8xf32, #tpu.memory_space<vmem>>, vector<256x1xf32>
    %max3A_53 = arith.constant 1.000000e+00 : f32
    %max3A_54 = vector.broadcast %max3A_53 : f32 to vector<256x1xf32>
    %max3A_55 = arith.maximumf %get3A_52, %max3A_54 : vector<256x1xf32>
    %get3A_56 = arith.constant 2 : index
    %get3A_57 = arith.constant 0 : index
    %get3A_58 = arith.constant 0 : index
    %get3A_59 = vector.load %arg2[%get3A_56, %get3A_57, %get3A_58] : memref<3x256x256xf32, #tpu.memory_space<vmem>>, vector<1x256x256xf32>
    %get3A_60 = vector.shape_cast %get3A_59 : vector<1x256x256xf32> to vector<256x256xf32>
    %div3A_61 = vector.broadcast %max3A_55 : vector<256x1xf32> to vector<256x256xf32>
    %div3A_62 = arith.divf %get3A_60, %div3A_61 : vector<256x256xf32>
    %get3A_63 = arith.constant 2 : index
    %get3A_64 = arith.constant 0 : index
    %get3A_65 = arith.constant 0 : index
    %get3A_66 = vector.load %arg4[%get3A_63, %get3A_64, %get3A_65] : memref<3x256x256xf32, #tpu.memory_space<vmem>>, vector<1x256x256xf32>
    %get3A_67 = vector.shape_cast %get3A_66 : vector<1x256x256xf32> to vector<256x256xf32>
    %dot_general3A_68 = arith.constant dense<0.000000e+00> : vector<256x256xf32>
    %dot_general3A_69 = tpu.matmul %div3A_62, %get3A_67, %dot_general3A_68 {dimension_numbers = #tpu.dot_dimension_numbers<[1], [0], [0], [1], [0, 0, 1, 1], [], []>, transpose_lhs_hint = false} : vector<256x256xf32>, vector<256x256xf32>, vector<256x256xf32> -> vector<256x256xf32>
    %add3A_70 = arith.addf %add3A_49, %dot_general3A_69 : vector<256x256xf32>
    %max3A_71 = arith.constant 0.000000e+00 : f32
    %max3A_72 = vector.broadcast %max3A_71 : f32 to vector<256x256xf32>
    %max3A_73 = arith.maximumf %add3A_70, %max3A_72 : vector<256x256xf32>
    %reduce_sum3A = arith.constant dense<0.000000e+00> : vector<256xf32>
    %reduce_sum3A_74 = vector.multi_reduction <add>, %max3A_73, %reduce_sum3A [1] : vector<256x256xf32> to vector<256xf32>
    %broadcast_in_dim3A = vector.shape_cast %reduce_sum3A_74 : vector<256xf32> to vector<256x1xf32>
    %div3A_75 = arith.constant 2.560000e+02 : f32
    %div3A_76 = vector.broadcast %div3A_75 : f32 to vector<256x1xf32>
    %div3A_77 = arith.divf %broadcast_in_dim3A, %div3A_76 : vector<256x1xf32>
    %sub3A = vector.broadcast %div3A_77 : vector<256x1xf32> to vector<256x256xf32>
    %sub3A_78 = arith.subf %max3A_73, %sub3A : vector<256x256xf32>
    %mul3A = arith.mulf %sub3A_78, %sub3A_78 : vector<256x256xf32>
    %reduce_sum3A_79 = arith.constant dense<0.000000e+00> : vector<256xf32>
    %reduce_sum3A_80 = vector.multi_reduction <add>, %mul3A, %reduce_sum3A_79 [1] : vector<256x256xf32> to vector<256xf32>
    %broadcast_in_dim3A_81 = vector.shape_cast %reduce_sum3A_80 : vector<256xf32> to vector<256x1xf32>
    %div3A_82 = arith.constant 2.560000e+02 : f32
    %div3A_83 = vector.broadcast %div3A_82 : f32 to vector<256x1xf32>
    %div3A_84 = arith.divf %broadcast_in_dim3A_81, %div3A_83 : vector<256x1xf32>
    %add3A_85 = arith.constant 9.99999974E-6 : f32
    %add3A_86 = vector.broadcast %add3A_85 : f32 to vector<256x1xf32>
    %add3A_87 = arith.addf %div3A_84, %add3A_86 : vector<256x1xf32>
    %sqrt3A = math.sqrt %add3A_87 : vector<256x1xf32>
    %div3A_88 = vector.broadcast %sqrt3A : vector<256x1xf32> to vector<256x256xf32>
    %div3A_89 = arith.divf %sub3A_78, %div3A_88 : vector<256x256xf32>
    %get3A_90 = arith.constant 0 : index
    %get3A_91 = arith.constant 0 : index
    %get3A_92 = vector.load %arg7[%get3A_90, %get3A_91] : memref<1x256xf32, #tpu.memory_space<vmem>>, vector<1x256xf32>
    %mul3A_93 = vector.broadcast %get3A_92 : vector<1x256xf32> to vector<256x256xf32>
    %mul3A_94 = arith.mulf %div3A_89, %mul3A_93 : vector<256x256xf32>
    %get3A_95 = arith.constant 0 : index
    %get3A_96 = arith.constant 0 : index
    %get3A_97 = vector.load %arg8[%get3A_95, %get3A_96] : memref<1x256xf32, #tpu.memory_space<vmem>>, vector<1x256xf32>
    %add3A_98 = vector.broadcast %get3A_97 : vector<1x256xf32> to vector<256x256xf32>
    %add3A_99 = arith.addf %mul3A_94, %add3A_98 : vector<256x256xf32>
    %swap3A = arith.constant 0 : index
    %swap3A_100 = arith.constant 0 : index
    %swap3A_101 = vector.load %arg9[%swap3A, %swap3A_100] : memref<256x256xf32, #tpu.memory_space<vmem>>, vector<256x256xf32>
    tpu.vector_store %arg9[%swap3A, %swap3A_100], %add3A_99 {strides = array<i32>} : memref<256x256xf32, #tpu.memory_space<vmem>>, vector<256x256xf32>,
    return
  }
  func.func @transform_0(%arg0: i32) -> (i32, i32) {
    %c0_i32 = arith.constant 0 : i32
    %c0_i32_0 = arith.constant 0 : i32
    return %arg0, %c0_i32 : i32, i32
  }
  func.func @transform_1(%arg0: i32) -> (i32, i32, i32) {
    %c0_i32 = arith.constant 0 : i32
    %c0_i32_0 = arith.constant 0 : i32
    %c0_i32_1 = arith.constant 0 : i32
    return %c0_i32, %arg0, %c0_i32_0 : i32, i32, i32
  }
  func.func @transform_2(%arg0: i32) -> (i32, i32) {
    %c0_i32 = arith.constant 0 : i32
    %c0_i32_0 = arith.constant 0 : i32
    return %arg0, %c0_i32 : i32, i32
  }
  func.func @transform_3(%arg0: i32) -> (i32, i32, i32) {
    %c0_i32 = arith.constant 0 : i32
    %c0_i32_0 = arith.constant 0 : i32
    %c0_i32_1 = arith.constant 0 : i32
    %c0_i32_2 = arith.constant 0 : i32
    return %c0_i32, %c0_i32_0, %c0_i32_1 : i32, i32, i32
  }
  func.func @transform_4(%arg0: i32) -> (i32, i32) {
    %c0_i32 = arith.constant 0 : i32
    %c0_i32_0 = arith.constant 0 : i32
    %c0_i32_1 = arith.constant 0 : i32
    return %c0_i32, %c0_i32_0 : i32, i32
  }
  func.func @transform_5(%arg0: i32) -> (i32, i32) {
    %c0_i32 = arith.constant 0 : i32
    %c0_i32_0 = arith.constant 0 : i32
    %c0_i32_1 = arith.constant 0 : i32
    return %c0_i32, %c0_i32_0 : i32, i32
  }
  func.func @transform_6(%arg0: i32) -> (i32, i32) {
    %c0_i32 = arith.constant 0 : i32
    %c0_i32_0 = arith.constant 0 : i32
    %c0_i32_1 = arith.constant 0 : i32
    return %c0_i32, %c0_i32_0 : i32, i32
  }
  func.func @transform_7(%arg0: i32) -> (i32, i32) {
    %c0_i32 = arith.constant 0 : i32
    %c0_i32_0 = arith.constant 0 : i32
    %c0_i32_1 = arith.constant 0 : i32
    return %c0_i32, %c0_i32_0 : i32, i32
  }
  func.func @transform_8(%arg0: i32) -> (i32, i32) {
    %c0_i32 = arith.constant 0 : i32
    %c0_i32_0 = arith.constant 0 : i32
    return %arg0, %c0_i32 : i32, i32
  }
}

module attributes {stable_mosaic.version = 14 : i64} {
  func.func @_agg_kernel(%arg0: i32, %arg1: memref<64x512xi32, #tpu.memory_space<vmem>>, %arg2: memref<64x512xi32, #tpu.memory_space<vmem>>, %arg3: memref<64x512xi32, #tpu.memory_space<vmem>>, %arg4: memref<64x512xf32, #tpu.memory_space<vmem>>, %arg5: memref<2048x256xf32, #tpu.memory_space<vmem>>, %arg6: memref<3x2048x256xf32, #tpu.memory_space<vmem>>, %arg7: memref<2048x8xf32, #tpu.memory_space<vmem>>) attributes {dimension_semantics = [#tpu.dimension_semantics<arbitrary>], iteration_bounds = array<i64: 64>, scalar_prefetch = 0 : i64, scratch_operands = 0 : i64, tpu.core_type = #tpu.core_type<tc>, window_params = [{pipeline_mode = #tpu.pipeline_mode<synchronous>, transform_indices = @transform_0, window_bounds = array<i64: 64, 512>}, {pipeline_mode = #tpu.pipeline_mode<synchronous>, transform_indices = @transform_1, window_bounds = array<i64: 64, 512>}, {pipeline_mode = #tpu.pipeline_mode<synchronous>, transform_indices = @transform_2, window_bounds = array<i64: 64, 512>}, {pipeline_mode = #tpu.pipeline_mode<synchronous>, transform_indices = @transform_3, window_bounds = array<i64: 64, 512>}, {pipeline_mode = #tpu.pipeline_mode<synchronous>, transform_indices = @transform_4, window_bounds = array<i64: 2048, 256>}, {pipeline_mode = #tpu.pipeline_mode<synchronous>, transform_indices = @transform_5, window_bounds = array<i64: 3, 2048, 256>}, {pipeline_mode = #tpu.pipeline_mode<synchronous>, transform_indices = @transform_6, window_bounds = array<i64: 2048, 8>}]} {
    %eq3A = arith.constant 0 : i32
    %eq3A_0 = arith.cmpi eq, %arg0, %eq3A : i32
    %convert_element_type3A = arith.extui %eq3A_0 : i1 to i32
    %cond3A = arith.constant 0 : i32
    %cond3A_1 = arith.cmpi ne, %convert_element_type3A, %cond3A : i32
    scf.if %cond3A_1 {
      %broadcast_in_dim3A_133 = arith.constant 0.000000e+00 : f32
      %broadcast_in_dim3A_134 = vector.broadcast %broadcast_in_dim3A_133 : f32 to vector<3x2048x256xf32>
      %swap3A_135 = arith.constant 0 : index
      %swap3A_136 = arith.constant 0 : index
      %swap3A_137 = arith.constant 0 : index
      %swap3A_138 = vector.load %arg6[%swap3A_135, %swap3A_136, %swap3A_137] : memref<3x2048x256xf32, #tpu.memory_space<vmem>>, vector<3x2048x256xf32>
      tpu.vector_store %arg6[%swap3A_135, %swap3A_136, %swap3A_137], %broadcast_in_dim3A_134 {strides = array<i32>} : memref<3x2048x256xf32, #tpu.memory_space<vmem>>, vector<3x2048x256xf32>,
      %broadcast_in_dim3A_139 = arith.constant 0.000000e+00 : f32
      %broadcast_in_dim3A_140 = vector.broadcast %broadcast_in_dim3A_139 : f32 to vector<2048x8xf32>
      %swap3A_141 = arith.constant 0 : index
      %swap3A_142 = arith.constant 0 : index
      %swap3A_143 = vector.load %arg7[%swap3A_141, %swap3A_142] : memref<2048x8xf32, #tpu.memory_space<vmem>>, vector<2048x8xf32>
      tpu.vector_store %arg7[%swap3A_141, %swap3A_142], %broadcast_in_dim3A_140 {strides = array<i32>} : memref<2048x8xf32, #tpu.memory_space<vmem>>, vector<2048x8xf32>,
    } else {
    }
    %get3A = arith.index_cast %arg0 : i32 to index
    %get3A_2 = arith.constant 0 : index
    %get3A_3 = vector.load %arg1[%get3A, %get3A_2] : memref<64x512xi32, #tpu.memory_space<vmem>>, vector<1x512xi32>
    %get3A_4 = arith.index_cast %arg0 : i32 to index
    %get3A_5 = arith.constant 0 : index
    %get3A_6 = vector.load %arg2[%get3A_4, %get3A_5] : memref<64x512xi32, #tpu.memory_space<vmem>>, vector<1x512xi32>
    %get3A_7 = arith.index_cast %arg0 : i32 to index
    %get3A_8 = arith.constant 0 : index
    %get3A_9 = vector.load %arg3[%get3A_7, %get3A_8] : memref<64x512xi32, #tpu.memory_space<vmem>>, vector<1x512xi32>
    %get3A_10 = arith.index_cast %arg0 : i32 to index
    %get3A_11 = arith.constant 0 : index
    %get3A_12 = vector.load %arg4[%get3A_10, %get3A_11] : memref<64x512xf32, #tpu.memory_space<vmem>>, vector<1x512xf32>
    %iota3A = tpu.iota {dimensions = array<i32: 0>} : vector<2048x512xi32>
    %eq3A_13 = vector.broadcast %get3A_3 : vector<1x512xi32> to vector<2048x512xi32>
    %eq3A_14 = arith.cmpi eq, %iota3A, %eq3A_13 : vector<2048x512xi32>
    %eq3A_15 = vector.broadcast %get3A_6 : vector<1x512xi32> to vector<2048x512xi32>
    %eq3A_16 = arith.cmpi eq, %iota3A, %eq3A_15 : vector<2048x512xi32>
    %convert_element_type3A_17 = arith.extui %eq3A_14 : vector<2048x512xi1> to vector<2048x512xi32>
    %convert_element_type3A_18 = arith.sitofp %convert_element_type3A_17 : vector<2048x512xi32> to vector<2048x512xf32>
    %convert_element_type3A_19 = arith.truncf %convert_element_type3A_18 : vector<2048x512xf32> to vector<2048x512xbf16>
    %convert_element_type3A_20 = arith.extui %eq3A_16 : vector<2048x512xi1> to vector<2048x512xi32>
    %convert_element_type3A_21 = arith.sitofp %convert_element_type3A_20 : vector<2048x512xi32> to vector<2048x512xf32>
    %convert_element_type3A_22 = arith.truncf %convert_element_type3A_21 : vector<2048x512xf32> to vector<2048x512xbf16>
    %get3A_23 = arith.constant 0 : index
    %get3A_24 = arith.constant 0 : index
    %get3A_25 = vector.load %arg5[%get3A_23, %get3A_24] : memref<2048x256xf32, #tpu.memory_space<vmem>>, vector<2048x256xf32>
    %convert_element_type3A_26 = arith.truncf %get3A_25 : vector<2048x256xf32> to vector<2048x256xbf16>
    %dot_general3A = arith.constant dense<0.000000e+00> : vector<512x256xf32>
    %dot_general3A_27 = tpu.matmul %convert_element_type3A_19, %convert_element_type3A_26, %dot_general3A {dimension_numbers = #tpu.dot_dimension_numbers<[0], [0], [1], [1], [0, 1, 1, 1], [], []>, transpose_lhs_hint = false} : vector<2048x512xbf16>, vector<2048x256xbf16>, vector<512x256xf32> -> vector<512x256xf32>
    %convert_element_type3A_28 = arith.truncf %dot_general3A_27 : vector<512x256xf32> to vector<512x256xbf16>
    %eq3A_29 = arith.constant 0 : i32
    %eq3A_30 = vector.broadcast %eq3A_29 : i32 to vector<1x512xi32>
    %eq3A_31 = arith.cmpi eq, %get3A_9, %eq3A_30 : vector<1x512xi32>
    %jit3A = arith.constant 0.000000e+00 : f32
    %broadcast_in_dim3A = vector.broadcast %jit3A : f32 to vector<1x512xf32>
    %select_n3A = arith.select %eq3A_31, %get3A_12, %broadcast_in_dim3A : vector<1x512xi1>, vector<1x512xf32>
    %convert_element_type3A_32 = arith.truncf %select_n3A : vector<1x512xf32> to vector<1x512xbf16>
    %mul3A = vector.broadcast %convert_element_type3A_32 : vector<1x512xbf16> to vector<2048x512xbf16>
    %mul3A_33 = arith.mulf %convert_element_type3A_22, %mul3A : vector<2048x512xbf16>
    %dot_general3A_34 = arith.constant dense<0.000000e+00> : vector<2048x256xf32>
    %dot_general3A_35 = tpu.matmul %mul3A_33, %convert_element_type3A_28, %dot_general3A_34 {dimension_numbers = #tpu.dot_dimension_numbers<[1], [0], [0], [1], [0, 0, 1, 1], [], []>, transpose_lhs_hint = false} : vector<2048x512xbf16>, vector<512x256xbf16>, vector<2048x256xf32> -> vector<2048x256xf32>
    %get3A_36 = arith.constant 0 : index
    %get3A_37 = arith.constant 0 : index
    %get3A_38 = arith.constant 0 : index
    %get3A_39 = vector.load %arg6[%get3A_36, %get3A_37, %get3A_38] : memref<3x2048x256xf32, #tpu.memory_space<vmem>>, vector<1x2048x256xf32>
    %get3A_40 = vector.shape_cast %get3A_39 : vector<1x2048x256xf32> to vector<2048x256xf32>
    %add3A = arith.addf %get3A_40, %dot_general3A_35 : vector<2048x256xf32>
    %swap3A = arith.constant 0 : index
    %swap3A_41 = arith.constant 0 : index
    %swap3A_42 = arith.constant 0 : index
    %swap3A_43 = vector.load %arg6[%swap3A, %swap3A_41, %swap3A_42] : memref<3x2048x256xf32, #tpu.memory_space<vmem>>, vector<1x2048x256xf32>
    %swap3A_44 = vector.shape_cast %swap3A_43 : vector<1x2048x256xf32> to vector<2048x256xf32>
    %swap3A_45 = vector.shape_cast %add3A : vector<2048x256xf32> to vector<1x2048x256xf32>
    tpu.vector_store %arg6[%swap3A, %swap3A_41, %swap3A_42], %swap3A_45 {strides = array<i32>} : memref<3x2048x256xf32, #tpu.memory_space<vmem>>, vector<1x2048x256xf32>,
    %get3A_46 = arith.constant 0 : index
    %get3A_47 = arith.constant 0 : index
    %get3A_48 = vector.load %arg7[%get3A_46, %get3A_47] : memref<2048x8xf32, #tpu.memory_space<vmem>>, vector<2048x1xf32>
    %convert_element_type3A_49 = arith.extui %eq3A_16 : vector<2048x512xi1> to vector<2048x512xi32>
    %convert_element_type3A_50 = arith.sitofp %convert_element_type3A_49 : vector<2048x512xi32> to vector<2048x512xf32>
    %mul3A_51 = vector.broadcast %select_n3A : vector<1x512xf32> to vector<2048x512xf32>
    %mul3A_52 = arith.mulf %convert_element_type3A_50, %mul3A_51 : vector<2048x512xf32>
    %reduce_sum3A = arith.constant dense<0.000000e+00> : vector<2048xf32>
    %reduce_sum3A_53 = vector.multi_reduction <add>, %mul3A_52, %reduce_sum3A [1] : vector<2048x512xf32> to vector<2048xf32>
    %broadcast_in_dim3A_54 = vector.shape_cast %reduce_sum3A_53 : vector<2048xf32> to vector<2048x1xf32>
    %add3A_55 = arith.addf %get3A_48, %broadcast_in_dim3A_54 : vector<2048x1xf32>
    %swap3A_56 = arith.constant 0 : index
    %swap3A_57 = arith.constant 0 : index
    %swap3A_58 = vector.load %arg7[%swap3A_56, %swap3A_57] : memref<2048x8xf32, #tpu.memory_space<vmem>>, vector<2048x1xf32>
    tpu.vector_store %arg7[%swap3A_56, %swap3A_57], %add3A_55 {strides = array<i32>} : memref<2048x8xf32, #tpu.memory_space<vmem>>, vector<2048x1xf32>,
    %eq3A_59 = arith.constant 1 : i32
    %eq3A_60 = vector.broadcast %eq3A_59 : i32 to vector<1x512xi32>
    %eq3A_61 = arith.cmpi eq, %get3A_9, %eq3A_60 : vector<1x512xi32>
    %jit3A_62 = arith.constant 0.000000e+00 : f32
    %broadcast_in_dim3A_63 = vector.broadcast %jit3A_62 : f32 to vector<1x512xf32>
    %select_n3A_64 = arith.select %eq3A_61, %get3A_12, %broadcast_in_dim3A_63 : vector<1x512xi1>, vector<1x512xf32>
    %convert_element_type3A_65 = arith.truncf %select_n3A_64 : vector<1x512xf32> to vector<1x512xbf16>
    %mul3A_66 = vector.broadcast %convert_element_type3A_65 : vector<1x512xbf16> to vector<2048x512xbf16>
    %mul3A_67 = arith.mulf %convert_element_type3A_22, %mul3A_66 : vector<2048x512xbf16>
    %dot_general3A_68 = arith.constant dense<0.000000e+00> : vector<2048x256xf32>
    %dot_general3A_69 = tpu.matmul %mul3A_67, %convert_element_type3A_28, %dot_general3A_68 {dimension_numbers = #tpu.dot_dimension_numbers<[1], [0], [0], [1], [0, 0, 1, 1], [], []>, transpose_lhs_hint = false} : vector<2048x512xbf16>, vector<512x256xbf16>, vector<2048x256xf32> -> vector<2048x256xf32>
    %get3A_70 = arith.constant 1 : index
    %get3A_71 = arith.constant 0 : index
    %get3A_72 = arith.constant 0 : index
    %get3A_73 = vector.load %arg6[%get3A_70, %get3A_71, %get3A_72] : memref<3x2048x256xf32, #tpu.memory_space<vmem>>, vector<1x2048x256xf32>
    %get3A_74 = vector.shape_cast %get3A_73 : vector<1x2048x256xf32> to vector<2048x256xf32>
    %add3A_75 = arith.addf %get3A_74, %dot_general3A_69 : vector<2048x256xf32>
    %swap3A_76 = arith.constant 1 : index
    %swap3A_77 = arith.constant 0 : index
    %swap3A_78 = arith.constant 0 : index
    %swap3A_79 = vector.load %arg6[%swap3A_76, %swap3A_77, %swap3A_78] : memref<3x2048x256xf32, #tpu.memory_space<vmem>>, vector<1x2048x256xf32>
    %swap3A_80 = vector.shape_cast %swap3A_79 : vector<1x2048x256xf32> to vector<2048x256xf32>
    %swap3A_81 = vector.shape_cast %add3A_75 : vector<2048x256xf32> to vector<1x2048x256xf32>
    tpu.vector_store %arg6[%swap3A_76, %swap3A_77, %swap3A_78], %swap3A_81 {strides = array<i32>} : memref<3x2048x256xf32, #tpu.memory_space<vmem>>, vector<1x2048x256xf32>,
    %get3A_82 = arith.constant 0 : index
    %get3A_83 = arith.constant 1 : index
    %get3A_84 = vector.load %arg7[%get3A_82, %get3A_83] : memref<2048x8xf32, #tpu.memory_space<vmem>>, vector<2048x1xf32>
    %convert_element_type3A_85 = arith.extui %eq3A_16 : vector<2048x512xi1> to vector<2048x512xi32>
    %convert_element_type3A_86 = arith.sitofp %convert_element_type3A_85 : vector<2048x512xi32> to vector<2048x512xf32>
    %mul3A_87 = vector.broadcast %select_n3A_64 : vector<1x512xf32> to vector<2048x512xf32>
    %mul3A_88 = arith.mulf %convert_element_type3A_86, %mul3A_87 : vector<2048x512xf32>
    %reduce_sum3A_89 = arith.constant dense<0.000000e+00> : vector<2048xf32>
    %reduce_sum3A_90 = vector.multi_reduction <add>, %mul3A_88, %reduce_sum3A_89 [1] : vector<2048x512xf32> to vector<2048xf32>
    %broadcast_in_dim3A_91 = vector.shape_cast %reduce_sum3A_90 : vector<2048xf32> to vector<2048x1xf32>
    %add3A_92 = arith.addf %get3A_84, %broadcast_in_dim3A_91 : vector<2048x1xf32>
    %swap3A_93 = arith.constant 0 : index
    %swap3A_94 = arith.constant 1 : index
    %swap3A_95 = vector.load %arg7[%swap3A_93, %swap3A_94] : memref<2048x8xf32, #tpu.memory_space<vmem>>, vector<2048x1xf32>
    tpu.vector_store %arg7[%swap3A_93, %swap3A_94], %add3A_92 {strides = array<i32>} : memref<2048x8xf32, #tpu.memory_space<vmem>>, vector<2048x1xf32>,
    %eq3A_96 = arith.constant 2 : i32
    %eq3A_97 = vector.broadcast %eq3A_96 : i32 to vector<1x512xi32>
    %eq3A_98 = arith.cmpi eq, %get3A_9, %eq3A_97 : vector<1x512xi32>
    %jit3A_99 = arith.constant 0.000000e+00 : f32
    %broadcast_in_dim3A_100 = vector.broadcast %jit3A_99 : f32 to vector<1x512xf32>
    %select_n3A_101 = arith.select %eq3A_98, %get3A_12, %broadcast_in_dim3A_100 : vector<1x512xi1>, vector<1x512xf32>
    %convert_element_type3A_102 = arith.truncf %select_n3A_101 : vector<1x512xf32> to vector<1x512xbf16>
    %mul3A_103 = vector.broadcast %convert_element_type3A_102 : vector<1x512xbf16> to vector<2048x512xbf16>
    %mul3A_104 = arith.mulf %convert_element_type3A_22, %mul3A_103 : vector<2048x512xbf16>
    %dot_general3A_105 = arith.constant dense<0.000000e+00> : vector<2048x256xf32>
    %dot_general3A_106 = tpu.matmul %mul3A_104, %convert_element_type3A_28, %dot_general3A_105 {dimension_numbers = #tpu.dot_dimension_numbers<[1], [0], [0], [1], [0, 0, 1, 1], [], []>, transpose_lhs_hint = false} : vector<2048x512xbf16>, vector<512x256xbf16>, vector<2048x256xf32> -> vector<2048x256xf32>
    %get3A_107 = arith.constant 2 : index
    %get3A_108 = arith.constant 0 : index
    %get3A_109 = arith.constant 0 : index
    %get3A_110 = vector.load %arg6[%get3A_107, %get3A_108, %get3A_109] : memref<3x2048x256xf32, #tpu.memory_space<vmem>>, vector<1x2048x256xf32>
    %get3A_111 = vector.shape_cast %get3A_110 : vector<1x2048x256xf32> to vector<2048x256xf32>
    %add3A_112 = arith.addf %get3A_111, %dot_general3A_106 : vector<2048x256xf32>
    %swap3A_113 = arith.constant 2 : index
    %swap3A_114 = arith.constant 0 : index
    %swap3A_115 = arith.constant 0 : index
    %swap3A_116 = vector.load %arg6[%swap3A_113, %swap3A_114, %swap3A_115] : memref<3x2048x256xf32, #tpu.memory_space<vmem>>, vector<1x2048x256xf32>
    %swap3A_117 = vector.shape_cast %swap3A_116 : vector<1x2048x256xf32> to vector<2048x256xf32>
    %swap3A_118 = vector.shape_cast %add3A_112 : vector<2048x256xf32> to vector<1x2048x256xf32>
    tpu.vector_store %arg6[%swap3A_113, %swap3A_114, %swap3A_115], %swap3A_118 {strides = array<i32>} : memref<3x2048x256xf32, #tpu.memory_space<vmem>>, vector<1x2048x256xf32>,
    %get3A_119 = arith.constant 0 : index
    %get3A_120 = arith.constant 2 : index
    %get3A_121 = vector.load %arg7[%get3A_119, %get3A_120] : memref<2048x8xf32, #tpu.memory_space<vmem>>, vector<2048x1xf32>
    %convert_element_type3A_122 = arith.extui %eq3A_16 : vector<2048x512xi1> to vector<2048x512xi32>
    %convert_element_type3A_123 = arith.sitofp %convert_element_type3A_122 : vector<2048x512xi32> to vector<2048x512xf32>
    %mul3A_124 = vector.broadcast %select_n3A_101 : vector<1x512xf32> to vector<2048x512xf32>
    %mul3A_125 = arith.mulf %convert_element_type3A_123, %mul3A_124 : vector<2048x512xf32>
    %reduce_sum3A_126 = arith.constant dense<0.000000e+00> : vector<2048xf32>
    %reduce_sum3A_127 = vector.multi_reduction <add>, %mul3A_125, %reduce_sum3A_126 [1] : vector<2048x512xf32> to vector<2048xf32>
    %broadcast_in_dim3A_128 = vector.shape_cast %reduce_sum3A_127 : vector<2048xf32> to vector<2048x1xf32>
    %add3A_129 = arith.addf %get3A_121, %broadcast_in_dim3A_128 : vector<2048x1xf32>
    %swap3A_130 = arith.constant 0 : index
    %swap3A_131 = arith.constant 2 : index
    %swap3A_132 = vector.load %arg7[%swap3A_130, %swap3A_131] : memref<2048x8xf32, #tpu.memory_space<vmem>>, vector<2048x1xf32>
    tpu.vector_store %arg7[%swap3A_130, %swap3A_131], %add3A_129 {strides = array<i32>} : memref<2048x8xf32, #tpu.memory_space<vmem>>, vector<2048x1xf32>,
    return
  }
  func.func @transform_0(%arg0: i32) -> (i32, i32) {
    %c0_i32 = arith.constant 0 : i32
    %c0_i32_0 = arith.constant 0 : i32
    %c0_i32_1 = arith.constant 0 : i32
    return %c0_i32, %c0_i32_0 : i32, i32
  }
  func.func @transform_1(%arg0: i32) -> (i32, i32) {
    %c0_i32 = arith.constant 0 : i32
    %c0_i32_0 = arith.constant 0 : i32
    %c0_i32_1 = arith.constant 0 : i32
    return %c0_i32, %c0_i32_0 : i32, i32
  }
  func.func @transform_2(%arg0: i32) -> (i32, i32) {
    %c0_i32 = arith.constant 0 : i32
    %c0_i32_0 = arith.constant 0 : i32
    %c0_i32_1 = arith.constant 0 : i32
    return %c0_i32, %c0_i32_0 : i32, i32
  }
  func.func @transform_3(%arg0: i32) -> (i32, i32) {
    %c0_i32 = arith.constant 0 : i32
    %c0_i32_0 = arith.constant 0 : i32
    %c0_i32_1 = arith.constant 0 : i32
    return %c0_i32, %c0_i32_0 : i32, i32
  }
  func.func @transform_4(%arg0: i32) -> (i32, i32) {
    %c0_i32 = arith.constant 0 : i32
    %c0_i32_0 = arith.constant 0 : i32
    %c0_i32_1 = arith.constant 0 : i32
    return %c0_i32, %c0_i32_0 : i32, i32
  }
  func.func @transform_5(%arg0: i32) -> (i32, i32, i32) {
    %c0_i32 = arith.constant 0 : i32
    %c0_i32_0 = arith.constant 0 : i32
    %c0_i32_1 = arith.constant 0 : i32
    %c0_i32_2 = arith.constant 0 : i32
    return %c0_i32, %c0_i32_0, %c0_i32_1 : i32, i32, i32
  }
  func.func @transform_6(%arg0: i32) -> (i32, i32) {
    %c0_i32 = arith.constant 0 : i32
    %c0_i32_0 = arith.constant 0 : i32
    %c0_i32_1 = arith.constant 0 : i32
    return %c0_i32, %c0_i32_0 : i32, i32
  }
}

module attributes {stable_mosaic.version = 14 : i64} {
  func.func @_push_kernel(%arg0: i32, %arg1: memref<256x2048xf32, #tpu.memory_space<vmem>>, %arg2: memref<2048x256xf32, #tpu.memory_space<vmem>>, %arg3: memref<256x256xf32, #tpu.memory_space<vmem>>) attributes {dimension_semantics = [#tpu.dimension_semantics<arbitrary>], iteration_bounds = array<i64: 8>, scalar_prefetch = 0 : i64, scratch_operands = 0 : i64, tpu.core_type = #tpu.core_type<tc>, window_params = [{transform_indices = @transform_0, window_bounds = array<i64: 256, 2048>}, {pipeline_mode = #tpu.pipeline_mode<synchronous>, transform_indices = @transform_1, window_bounds = array<i64: 2048, 256>}, {transform_indices = @transform_2, window_bounds = array<i64: 256, 256>}]} {
    %get3A = arith.constant 0 : index
    %get3A_0 = arith.constant 0 : index
    %get3A_1 = vector.load %arg1[%get3A, %get3A_0] : memref<256x2048xf32, #tpu.memory_space<vmem>>, vector<256x2048xf32>
    %get3A_2 = arith.constant 0 : index
    %get3A_3 = arith.constant 0 : index
    %get3A_4 = vector.load %arg2[%get3A_2, %get3A_3] : memref<2048x256xf32, #tpu.memory_space<vmem>>, vector<2048x256xf32>
    %mul3A = arith.constant 256 : i32
    %mul3A_5 = arith.muli %arg0, %mul3A : i32
    %get3A_6 = arith.index_cast %mul3A_5 : i32 to index
    %get3A_7 = arith.constant 0 : index
    %get3A_8 = vector.load %arg2[%get3A_6, %get3A_7] : memref<2048x256xf32, #tpu.memory_space<vmem>>, vector<256x256xf32>
    %reduce_sum3A = arith.constant dense<0.000000e+00> : vector<256xf32>
    %reduce_sum3A_9 = vector.multi_reduction <add>, %get3A_1, %reduce_sum3A [1] : vector<256x2048xf32> to vector<256xf32>
    %broadcast_in_dim3A = vector.shape_cast %reduce_sum3A_9 : vector<256xf32> to vector<256x1xf32>
    %eq3A = arith.constant 0.000000e+00 : f32
    %eq3A_10 = vector.broadcast %eq3A : f32 to vector<256x1xf32>
    %eq3A_11 = arith.cmpf oeq, %broadcast_in_dim3A, %eq3A_10 : vector<256x1xf32>
    %jit3A = arith.constant 1.000000e+00 : f32
    %broadcast_in_dim3A_12 = vector.broadcast %jit3A : f32 to vector<256x1xf32>
    %select_n3A = arith.select %eq3A_11, %broadcast_in_dim3A_12, %broadcast_in_dim3A : vector<256x1xi1>, vector<256x1xf32>
    %dot_general3A = arith.constant dense<0.000000e+00> : vector<256x256xf32>
    %dot_general3A_13 = tpu.matmul %get3A_1, %get3A_4, %dot_general3A {dimension_numbers = #tpu.dot_dimension_numbers<[1], [0], [0], [1], [0, 0, 1, 1], [], []>, transpose_lhs_hint = false} : vector<256x2048xf32>, vector<2048x256xf32>, vector<256x256xf32> -> vector<256x256xf32>
    %div3A = vector.broadcast %select_n3A : vector<256x1xf32> to vector<256x256xf32>
    %div3A_14 = arith.divf %dot_general3A_13, %div3A : vector<256x256xf32>
    %mul3A_15 = arith.constant 0.899999976 : f32
    %mul3A_16 = vector.broadcast %mul3A_15 : f32 to vector<256x256xf32>
    %mul3A_17 = arith.mulf %mul3A_16, %get3A_8 : vector<256x256xf32>
    %mul3A_18 = arith.constant 1.000000e-01 : f32
    %mul3A_19 = vector.broadcast %mul3A_18 : f32 to vector<256x256xf32>
    %mul3A_20 = arith.mulf %mul3A_19, %div3A_14 : vector<256x256xf32>
    %add3A = arith.addf %mul3A_17, %mul3A_20 : vector<256x256xf32>
    %swap3A = arith.constant 0 : index
    %swap3A_21 = arith.constant 0 : index
    %swap3A_22 = vector.load %arg3[%swap3A, %swap3A_21] : memref<256x256xf32, #tpu.memory_space<vmem>>, vector<256x256xf32>
    tpu.vector_store %arg3[%swap3A, %swap3A_21], %add3A {strides = array<i32>} : memref<256x256xf32, #tpu.memory_space<vmem>>, vector<256x256xf32>,
    return
  }
  func.func @transform_0(%arg0: i32) -> (i32, i32) {
    %c0_i32 = arith.constant 0 : i32
    %c0_i32_0 = arith.constant 0 : i32
    return %arg0, %c0_i32 : i32, i32
  }
  func.func @transform_1(%arg0: i32) -> (i32, i32) {
    %c0_i32 = arith.constant 0 : i32
    %c0_i32_0 = arith.constant 0 : i32
    %c0_i32_1 = arith.constant 0 : i32
    return %c0_i32, %c0_i32_0 : i32, i32
  }
  func.func @transform_2(%arg0: i32) -> (i32, i32) {
    %c0_i32 = arith.constant 0 : i32
    %c0_i32_0 = arith.constant 0 : i32
    return %arg0, %c0_i32 : i32, i32
  }
}

module attributes {stable_mosaic.version = 14 : i64} {
  func.func @_topk_kernel(%arg0: i32, %arg1: memref<2048x256xf32, #tpu.memory_space<vmem>>, %arg2: memref<2048x256xf32, #tpu.memory_space<vmem>>, %arg3: memref<256x256xf32, #tpu.memory_space<vmem>>) attributes {dimension_semantics = [#tpu.dimension_semantics<arbitrary>], iteration_bounds = array<i64: 8>, scalar_prefetch = 0 : i64, scratch_operands = 0 : i64, tpu.core_type = #tpu.core_type<tc>, window_params = [{pipeline_mode = #tpu.pipeline_mode<synchronous>, transform_indices = @transform_0, window_bounds = array<i64: 2048, 256>}, {pipeline_mode = #tpu.pipeline_mode<synchronous>, transform_indices = @transform_1, window_bounds = array<i64: 2048, 256>}, {transform_indices = @transform_2, window_bounds = array<i64: 256, 256>}]} {
    %mul3A = arith.constant 256 : i32
    %mul3A_0 = arith.muli %arg0, %mul3A : i32
    %get3A = arith.index_cast %mul3A_0 : i32 to index
    %get3A_1 = arith.constant 0 : index
    %get3A_2 = vector.load %arg1[%get3A, %get3A_1] : memref<2048x256xf32, #tpu.memory_space<vmem>>, vector<256x256xf32>
    %get3A_3 = arith.constant 0 : index
    %get3A_4 = arith.constant 0 : index
    %get3A_5 = vector.load %arg1[%get3A_3, %get3A_4] : memref<2048x256xf32, #tpu.memory_space<vmem>>, vector<2048x256xf32>
    %dot_general3A = arith.constant dense<0.000000e+00> : vector<256x2048xf32>
    %dot_general3A_6 = tpu.matmul %get3A_2, %get3A_5, %dot_general3A {dimension_numbers = #tpu.dot_dimension_numbers<[1], [1], [0], [0], [0, 0, 1, 0], [], []>, transpose_lhs_hint = false} : vector<256x256xf32>, vector<2048x256xf32>, vector<256x2048xf32> -> vector<256x2048xf32>
    %iota3A = tpu.iota {dimensions = array<i32: 1>} : vector<256x2048xi32>
    %iota3A_7 = tpu.iota {dimensions = array<i32: 0>} : vector<256x2048xi32>
    %mul3A_8 = arith.constant 256 : i32
    %mul3A_9 = arith.muli %arg0, %mul3A_8 : i32
    %add3A = vector.broadcast %mul3A_9 : i32 to vector<256x2048xi32>
    %add3A_10 = arith.addi %iota3A_7, %add3A : vector<256x2048xi32>
    %eq3A = arith.cmpi eq, %add3A_10, %iota3A : vector<256x2048xi32>
    %jit3A = arith.constant 0.000000e+00 : f32
    %broadcast_in_dim3A = vector.broadcast %jit3A : f32 to vector<256x2048xf32>
    %select_n3A = arith.select %eq3A, %broadcast_in_dim3A, %dot_general3A_6 : vector<256x2048xi1>, vector<256x2048xf32>
    %reduce_sum3A = arith.constant dense<0.000000e+00> : vector<256xf32>
    %reduce_sum3A_11 = vector.multi_reduction <add>, %select_n3A, %reduce_sum3A [1] : vector<256x2048xf32> to vector<256xf32>
    %broadcast_in_dim3A_12 = vector.shape_cast %reduce_sum3A_11 : vector<256xf32> to vector<256x1xf32>
    %eq3A_13 = arith.constant 0.000000e+00 : f32
    %eq3A_14 = vector.broadcast %eq3A_13 : f32 to vector<256x1xf32>
    %eq3A_15 = arith.cmpf oeq, %broadcast_in_dim3A_12, %eq3A_14 : vector<256x1xf32>
    %jit3A_16 = arith.constant 1.000000e+00 : f32
    %broadcast_in_dim3A_17 = vector.broadcast %jit3A_16 : f32 to vector<256x1xf32>
    %select_n3A_18 = arith.select %eq3A_15, %broadcast_in_dim3A_17, %broadcast_in_dim3A_12 : vector<256x1xi1>, vector<256x1xf32>
    %div3A = vector.broadcast %select_n3A_18 : vector<256x1xf32> to vector<256x2048xf32>
    %div3A_19 = arith.divf %select_n3A, %div3A : vector<256x2048xf32>
    %bitcast_convert_type3A = tpu.bitcast %div3A_19 : vector<256x2048xf32> -> vector<256x2048xi32>
    %shift_right_arithmetic3A = arith.constant 31 : i32
    %shift_right_arithmetic3A_20 = vector.broadcast %shift_right_arithmetic3A : i32 to vector<256x2048xi32>
    %shift_right_arithmetic3A_21 = arith.shrsi %bitcast_convert_type3A, %shift_right_arithmetic3A_20 : vector<256x2048xi32>
    %and3A = arith.constant 2147483647 : i32
    %and3A_22 = vector.broadcast %and3A : i32 to vector<256x2048xi32>
    %and3A_23 = arith.andi %shift_right_arithmetic3A_21, %and3A_22 : vector<256x2048xi32>
    %xor3A = arith.xori %bitcast_convert_type3A, %and3A_23 : vector<256x2048xi32>
    %ge3A = arith.constant 0 : i32
    %ge3A_24 = vector.broadcast %ge3A : i32 to vector<256x2048xi32>
    %ge3A_25 = arith.cmpi sge, %xor3A, %ge3A_24 : vector<256x2048xi32>
    %convert_element_type3A = arith.extui %ge3A_25 : vector<256x2048xi1> to vector<256x2048xi32>
    %reduce_sum3A_26 = arith.constant dense<0> : vector<256xi32>
    %reduce_sum3A_27 = vector.multi_reduction <add>, %convert_element_type3A, %reduce_sum3A_26 [1] : vector<256x2048xi32> to vector<256xi32>
    %broadcast_in_dim3A_28 = vector.shape_cast %reduce_sum3A_27 : vector<256xi32> to vector<256x1xi32>
    %lt3A = arith.constant 1024 : i32
    %lt3A_29 = vector.broadcast %lt3A : i32 to vector<256x1xi32>
    %lt3A_30 = arith.cmpi slt, %broadcast_in_dim3A_28, %lt3A_29 : vector<256x1xi32>
    %sub3A = arith.constant 1024 : i32
    %sub3A_31 = vector.broadcast %sub3A : i32 to vector<256x1xi32>
    %sub3A_32 = arith.subi %sub3A_31, %broadcast_in_dim3A_28 : vector<256x1xi32>
    %jit3A_33 = arith.constant 1024 : i32
    %broadcast_in_dim3A_34 = vector.broadcast %jit3A_33 : i32 to vector<256x1xi32>
    %select_n3A_35 = arith.select %lt3A_30, %sub3A_32, %broadcast_in_dim3A_34 : vector<256x1xi1>, vector<256x1xi32>
    %xor3A_36 = vector.broadcast %lt3A_30 : vector<256x1xi1> to vector<256x2048xi1>
    %xor3A_37 = arith.xori %ge3A_25, %xor3A_36 : vector<256x2048xi1>
    %and3A_38 = arith.constant 2147483647 : i32
    %and3A_39 = vector.broadcast %and3A_38 : i32 to vector<256x2048xi32>
    %and3A_40 = arith.andi %xor3A, %and3A_39 : vector<256x2048xi32>
    %broadcast_in_dim3A_41 = arith.constant 0 : i32
    %broadcast_in_dim3A_42 = vector.broadcast %broadcast_in_dim3A_41 : i32 to vector<256x1xi32>
    %or3A = arith.constant 1073741824 : i32
    %or3A_43 = vector.broadcast %or3A : i32 to vector<256x1xi32>
    %or3A_44 = arith.ori %broadcast_in_dim3A_42, %or3A_43 : vector<256x1xi32>
    %ge3A_45 = vector.broadcast %or3A_44 : vector<256x1xi32> to vector<256x2048xi32>
    %ge3A_46 = arith.cmpi sge, %and3A_40, %ge3A_45 : vector<256x2048xi32>
    %and3A_47 = arith.andi %xor3A_37, %ge3A_46 : vector<256x2048xi1>
    %convert_element_type3A_48 = arith.extui %and3A_47 : vector<256x2048xi1> to vector<256x2048xi32>
    %reduce_sum3A_49 = arith.constant dense<0> : vector<256xi32>
    %reduce_sum3A_50 = vector.multi_reduction <add>, %convert_element_type3A_48, %reduce_sum3A_49 [1] : vector<256x2048xi32> to vector<256xi32>
    %broadcast_in_dim3A_51 = vector.shape_cast %reduce_sum3A_50 : vector<256xi32> to vector<256x1xi32>
    %ge3A_52 = arith.cmpi sge, %broadcast_in_dim3A_51, %select_n3A_35 : vector<256x1xi32>
    %select_n3A_53 = arith.select %ge3A_52, %or3A_44, %broadcast_in_dim3A_42 : vector<256x1xi1>, vector<256x1xi32>
    %or3A_54 = arith.constant 536870912 : i32
    %or3A_55 = vector.broadcast %or3A_54 : i32 to vector<256x1xi32>
    %or3A_56 = arith.ori %select_n3A_53, %or3A_55 : vector<256x1xi32>
    %ge3A_57 = vector.broadcast %or3A_56 : vector<256x1xi32> to vector<256x2048xi32>
    %ge3A_58 = arith.cmpi sge, %and3A_40, %ge3A_57 : vector<256x2048xi32>
    %and3A_59 = arith.andi %xor3A_37, %ge3A_58 : vector<256x2048xi1>
    %convert_element_type3A_60 = arith.extui %and3A_59 : vector<256x2048xi1> to vector<256x2048xi32>
    %reduce_sum3A_61 = arith.constant dense<0> : vector<256xi32>
    %reduce_sum3A_62 = vector.multi_reduction <add>, %convert_element_type3A_60, %reduce_sum3A_61 [1] : vector<256x2048xi32> to vector<256xi32>
    %broadcast_in_dim3A_63 = vector.shape_cast %reduce_sum3A_62 : vector<256xi32> to vector<256x1xi32>
    %ge3A_64 = arith.cmpi sge, %broadcast_in_dim3A_63, %select_n3A_35 : vector<256x1xi32>
    %select_n3A_65 = arith.select %ge3A_64, %or3A_56, %select_n3A_53 : vector<256x1xi1>, vector<256x1xi32>
    %or3A_66 = arith.constant 268435456 : i32
    %or3A_67 = vector.broadcast %or3A_66 : i32 to vector<256x1xi32>
    %or3A_68 = arith.ori %select_n3A_65, %or3A_67 : vector<256x1xi32>
    %ge3A_69 = vector.broadcast %or3A_68 : vector<256x1xi32> to vector<256x2048xi32>
    %ge3A_70 = arith.cmpi sge, %and3A_40, %ge3A_69 : vector<256x2048xi32>
    %and3A_71 = arith.andi %xor3A_37, %ge3A_70 : vector<256x2048xi1>
    %convert_element_type3A_72 = arith.extui %and3A_71 : vector<256x2048xi1> to vector<256x2048xi32>
    %reduce_sum3A_73 = arith.constant dense<0> : vector<256xi32>
    %reduce_sum3A_74 = vector.multi_reduction <add>, %convert_element_type3A_72, %reduce_sum3A_73 [1] : vector<256x2048xi32> to vector<256xi32>
    %broadcast_in_dim3A_75 = vector.shape_cast %reduce_sum3A_74 : vector<256xi32> to vector<256x1xi32>
    %ge3A_76 = arith.cmpi sge, %broadcast_in_dim3A_75, %select_n3A_35 : vector<256x1xi32>
    %select_n3A_77 = arith.select %ge3A_76, %or3A_68, %select_n3A_65 : vector<256x1xi1>, vector<256x1xi32>
    %or3A_78 = arith.constant 134217728 : i32
    %or3A_79 = vector.broadcast %or3A_78 : i32 to vector<256x1xi32>
    %or3A_80 = arith.ori %select_n3A_77, %or3A_79 : vector<256x1xi32>
    %ge3A_81 = vector.broadcast %or3A_80 : vector<256x1xi32> to vector<256x2048xi32>
    %ge3A_82 = arith.cmpi sge, %and3A_40, %ge3A_81 : vector<256x2048xi32>
    %and3A_83 = arith.andi %xor3A_37, %ge3A_82 : vector<256x2048xi1>
    %convert_element_type3A_84 = arith.extui %and3A_83 : vector<256x2048xi1> to vector<256x2048xi32>
    %reduce_sum3A_85 = arith.constant dense<0> : vector<256xi32>
    %reduce_sum3A_86 = vector.multi_reduction <add>, %convert_element_type3A_84, %reduce_sum3A_85 [1] : vector<256x2048xi32> to vector<256xi32>
    %broadcast_in_dim3A_87 = vector.shape_cast %reduce_sum3A_86 : vector<256xi32> to vector<256x1xi32>
    %ge3A_88 = arith.cmpi sge, %broadcast_in_dim3A_87, %select_n3A_35 : vector<256x1xi32>
    %select_n3A_89 = arith.select %ge3A_88, %or3A_80, %select_n3A_77 : vector<256x1xi1>, vector<256x1xi32>
    %or3A_90 = arith.constant 67108864 : i32
    %or3A_91 = vector.broadcast %or3A_90 : i32 to vector<256x1xi32>
    %or3A_92 = arith.ori %select_n3A_89, %or3A_91 : vector<256x1xi32>
    %ge3A_93 = vector.broadcast %or3A_92 : vector<256x1xi32> to vector<256x2048xi32>
    %ge3A_94 = arith.cmpi sge, %and3A_40, %ge3A_93 : vector<256x2048xi32>
    %and3A_95 = arith.andi %xor3A_37, %ge3A_94 : vector<256x2048xi1>
    %convert_element_type3A_96 = arith.extui %and3A_95 : vector<256x2048xi1> to vector<256x2048xi32>
    %reduce_sum3A_97 = arith.constant dense<0> : vector<256xi32>
    %reduce_sum3A_98 = vector.multi_reduction <add>, %convert_element_type3A_96, %reduce_sum3A_97 [1] : vector<256x2048xi32> to vector<256xi32>
    %broadcast_in_dim3A_99 = vector.shape_cast %reduce_sum3A_98 : vector<256xi32> to vector<256x1xi32>
    %ge3A_100 = arith.cmpi sge, %broadcast_in_dim3A_99, %select_n3A_35 : vector<256x1xi32>
    %select_n3A_101 = arith.select %ge3A_100, %or3A_92, %select_n3A_89 : vector<256x1xi1>, vector<256x1xi32>
    %or3A_102 = arith.constant 33554432 : i32
    %or3A_103 = vector.broadcast %or3A_102 : i32 to vector<256x1xi32>
    %or3A_104 = arith.ori %select_n3A_101, %or3A_103 : vector<256x1xi32>
    %ge3A_105 = vector.broadcast %or3A_104 : vector<256x1xi32> to vector<256x2048xi32>
    %ge3A_106 = arith.cmpi sge, %and3A_40, %ge3A_105 : vector<256x2048xi32>
    %and3A_107 = arith.andi %xor3A_37, %ge3A_106 : vector<256x2048xi1>
    %convert_element_type3A_108 = arith.extui %and3A_107 : vector<256x2048xi1> to vector<256x2048xi32>
    %reduce_sum3A_109 = arith.constant dense<0> : vector<256xi32>
    %reduce_sum3A_110 = vector.multi_reduction <add>, %convert_element_type3A_108, %reduce_sum3A_109 [1] : vector<256x2048xi32> to vector<256xi32>
    %broadcast_in_dim3A_111 = vector.shape_cast %reduce_sum3A_110 : vector<256xi32> to vector<256x1xi32>
    %ge3A_112 = arith.cmpi sge, %broadcast_in_dim3A_111, %select_n3A_35 : vector<256x1xi32>
    %select_n3A_113 = arith.select %ge3A_112, %or3A_104, %select_n3A_101 : vector<256x1xi1>, vector<256x1xi32>
    %or3A_114 = arith.constant 16777216 : i32
    %or3A_115 = vector.broadcast %or3A_114 : i32 to vector<256x1xi32>
    %or3A_116 = arith.ori %select_n3A_113, %or3A_115 : vector<256x1xi32>
    %ge3A_117 = vector.broadcast %or3A_116 : vector<256x1xi32> to vector<256x2048xi32>
    %ge3A_118 = arith.cmpi sge, %and3A_40, %ge3A_117 : vector<256x2048xi32>
    %and3A_119 = arith.andi %xor3A_37, %ge3A_118 : vector<256x2048xi1>
    %convert_element_type3A_120 = arith.extui %and3A_119 : vector<256x2048xi1> to vector<256x2048xi32>
    %reduce_sum3A_121 = arith.constant dense<0> : vector<256xi32>
    %reduce_sum3A_122 = vector.multi_reduction <add>, %convert_element_type3A_120, %reduce_sum3A_121 [1] : vector<256x2048xi32> to vector<256xi32>
    %broadcast_in_dim3A_123 = vector.shape_cast %reduce_sum3A_122 : vector<256xi32> to vector<256x1xi32>
    %ge3A_124 = arith.cmpi sge, %broadcast_in_dim3A_123, %select_n3A_35 : vector<256x1xi32>
    %select_n3A_125 = arith.select %ge3A_124, %or3A_116, %select_n3A_113 : vector<256x1xi1>, vector<256x1xi32>
    %or3A_126 = arith.constant 8388608 : i32
    %or3A_127 = vector.broadcast %or3A_126 : i32 to vector<256x1xi32>
    %or3A_128 = arith.ori %select_n3A_125, %or3A_127 : vector<256x1xi32>
    %ge3A_129 = vector.broadcast %or3A_128 : vector<256x1xi32> to vector<256x2048xi32>
    %ge3A_130 = arith.cmpi sge, %and3A_40, %ge3A_129 : vector<256x2048xi32>
    %and3A_131 = arith.andi %xor3A_37, %ge3A_130 : vector<256x2048xi1>
    %convert_element_type3A_132 = arith.extui %and3A_131 : vector<256x2048xi1> to vector<256x2048xi32>
    %reduce_sum3A_133 = arith.constant dense<0> : vector<256xi32>
    %reduce_sum3A_134 = vector.multi_reduction <add>, %convert_element_type3A_132, %reduce_sum3A_133 [1] : vector<256x2048xi32> to vector<256xi32>
    %broadcast_in_dim3A_135 = vector.shape_cast %reduce_sum3A_134 : vector<256xi32> to vector<256x1xi32>
    %ge3A_136 = arith.cmpi sge, %broadcast_in_dim3A_135, %select_n3A_35 : vector<256x1xi32>
    %select_n3A_137 = arith.select %ge3A_136, %or3A_128, %select_n3A_125 : vector<256x1xi1>, vector<256x1xi32>
    %or3A_138 = arith.constant 4194304 : i32
    %or3A_139 = vector.broadcast %or3A_138 : i32 to vector<256x1xi32>
    %or3A_140 = arith.ori %select_n3A_137, %or3A_139 : vector<256x1xi32>
    %ge3A_141 = vector.broadcast %or3A_140 : vector<256x1xi32> to vector<256x2048xi32>
    %ge3A_142 = arith.cmpi sge, %and3A_40, %ge3A_141 : vector<256x2048xi32>
    %and3A_143 = arith.andi %xor3A_37, %ge3A_142 : vector<256x2048xi1>
    %convert_element_type3A_144 = arith.extui %and3A_143 : vector<256x2048xi1> to vector<256x2048xi32>
    %reduce_sum3A_145 = arith.constant dense<0> : vector<256xi32>
    %reduce_sum3A_146 = vector.multi_reduction <add>, %convert_element_type3A_144, %reduce_sum3A_145 [1] : vector<256x2048xi32> to vector<256xi32>
    %broadcast_in_dim3A_147 = vector.shape_cast %reduce_sum3A_146 : vector<256xi32> to vector<256x1xi32>
    %ge3A_148 = arith.cmpi sge, %broadcast_in_dim3A_147, %select_n3A_35 : vector<256x1xi32>
    %select_n3A_149 = arith.select %ge3A_148, %or3A_140, %select_n3A_137 : vector<256x1xi1>, vector<256x1xi32>
    %or3A_150 = arith.constant 2097152 : i32
    %or3A_151 = vector.broadcast %or3A_150 : i32 to vector<256x1xi32>
    %or3A_152 = arith.ori %select_n3A_149, %or3A_151 : vector<256x1xi32>
    %ge3A_153 = vector.broadcast %or3A_152 : vector<256x1xi32> to vector<256x2048xi32>
    %ge3A_154 = arith.cmpi sge, %and3A_40, %ge3A_153 : vector<256x2048xi32>
    %and3A_155 = arith.andi %xor3A_37, %ge3A_154 : vector<256x2048xi1>
    %convert_element_type3A_156 = arith.extui %and3A_155 : vector<256x2048xi1> to vector<256x2048xi32>
    %reduce_sum3A_157 = arith.constant dense<0> : vector<256xi32>
    %reduce_sum3A_158 = vector.multi_reduction <add>, %convert_element_type3A_156, %reduce_sum3A_157 [1] : vector<256x2048xi32> to vector<256xi32>
    %broadcast_in_dim3A_159 = vector.shape_cast %reduce_sum3A_158 : vector<256xi32> to vector<256x1xi32>
    %ge3A_160 = arith.cmpi sge, %broadcast_in_dim3A_159, %select_n3A_35 : vector<256x1xi32>
    %select_n3A_161 = arith.select %ge3A_160, %or3A_152, %select_n3A_149 : vector<256x1xi1>, vector<256x1xi32>
    %or3A_162 = arith.constant 1048576 : i32
    %or3A_163 = vector.broadcast %or3A_162 : i32 to vector<256x1xi32>
    %or3A_164 = arith.ori %select_n3A_161, %or3A_163 : vector<256x1xi32>
    %ge3A_165 = vector.broadcast %or3A_164 : vector<256x1xi32> to vector<256x2048xi32>
    %ge3A_166 = arith.cmpi sge, %and3A_40, %ge3A_165 : vector<256x2048xi32>
    %and3A_167 = arith.andi %xor3A_37, %ge3A_166 : vector<256x2048xi1>
    %convert_element_type3A_168 = arith.extui %and3A_167 : vector<256x2048xi1> to vector<256x2048xi32>
    %reduce_sum3A_169 = arith.constant dense<0> : vector<256xi32>
    %reduce_sum3A_170 = vector.multi_reduction <add>, %convert_element_type3A_168, %reduce_sum3A_169 [1] : vector<256x2048xi32> to vector<256xi32>
    %broadcast_in_dim3A_171 = vector.shape_cast %reduce_sum3A_170 : vector<256xi32> to vector<256x1xi32>
    %ge3A_172 = arith.cmpi sge, %broadcast_in_dim3A_171, %select_n3A_35 : vector<256x1xi32>
    %select_n3A_173 = arith.select %ge3A_172, %or3A_164, %select_n3A_161 : vector<256x1xi1>, vector<256x1xi32>
    %or3A_174 = arith.constant 524288 : i32
    %or3A_175 = vector.broadcast %or3A_174 : i32 to vector<256x1xi32>
    %or3A_176 = arith.ori %select_n3A_173, %or3A_175 : vector<256x1xi32>
    %ge3A_177 = vector.broadcast %or3A_176 : vector<256x1xi32> to vector<256x2048xi32>
    %ge3A_178 = arith.cmpi sge, %and3A_40, %ge3A_177 : vector<256x2048xi32>
    %and3A_179 = arith.andi %xor3A_37, %ge3A_178 : vector<256x2048xi1>
    %convert_element_type3A_180 = arith.extui %and3A_179 : vector<256x2048xi1> to vector<256x2048xi32>
    %reduce_sum3A_181 = arith.constant dense<0> : vector<256xi32>
    %reduce_sum3A_182 = vector.multi_reduction <add>, %convert_element_type3A_180, %reduce_sum3A_181 [1] : vector<256x2048xi32> to vector<256xi32>
    %broadcast_in_dim3A_183 = vector.shape_cast %reduce_sum3A_182 : vector<256xi32> to vector<256x1xi32>
    %ge3A_184 = arith.cmpi sge, %broadcast_in_dim3A_183, %select_n3A_35 : vector<256x1xi32>
    %select_n3A_185 = arith.select %ge3A_184, %or3A_176, %select_n3A_173 : vector<256x1xi1>, vector<256x1xi32>
    %or3A_186 = arith.constant 262144 : i32
    %or3A_187 = vector.broadcast %or3A_186 : i32 to vector<256x1xi32>
    %or3A_188 = arith.ori %select_n3A_185, %or3A_187 : vector<256x1xi32>
    %ge3A_189 = vector.broadcast %or3A_188 : vector<256x1xi32> to vector<256x2048xi32>
    %ge3A_190 = arith.cmpi sge, %and3A_40, %ge3A_189 : vector<256x2048xi32>
    %and3A_191 = arith.andi %xor3A_37, %ge3A_190 : vector<256x2048xi1>
    %convert_element_type3A_192 = arith.extui %and3A_191 : vector<256x2048xi1> to vector<256x2048xi32>
    %reduce_sum3A_193 = arith.constant dense<0> : vector<256xi32>
    %reduce_sum3A_194 = vector.multi_reduction <add>, %convert_element_type3A_192, %reduce_sum3A_193 [1] : vector<256x2048xi32> to vector<256xi32>
    %broadcast_in_dim3A_195 = vector.shape_cast %reduce_sum3A_194 : vector<256xi32> to vector<256x1xi32>
    %ge3A_196 = arith.cmpi sge, %broadcast_in_dim3A_195, %select_n3A_35 : vector<256x1xi32>
    %select_n3A_197 = arith.select %ge3A_196, %or3A_188, %select_n3A_185 : vector<256x1xi1>, vector<256x1xi32>
    %or3A_198 = arith.constant 131072 : i32
    %or3A_199 = vector.broadcast %or3A_198 : i32 to vector<256x1xi32>
    %or3A_200 = arith.ori %select_n3A_197, %or3A_199 : vector<256x1xi32>
    %ge3A_201 = vector.broadcast %or3A_200 : vector<256x1xi32> to vector<256x2048xi32>
    %ge3A_202 = arith.cmpi sge, %and3A_40, %ge3A_201 : vector<256x2048xi32>
    %and3A_203 = arith.andi %xor3A_37, %ge3A_202 : vector<256x2048xi1>
    %convert_element_type3A_204 = arith.extui %and3A_203 : vector<256x2048xi1> to vector<256x2048xi32>
    %reduce_sum3A_205 = arith.constant dense<0> : vector<256xi32>
    %reduce_sum3A_206 = vector.multi_reduction <add>, %convert_element_type3A_204, %reduce_sum3A_205 [1] : vector<256x2048xi32> to vector<256xi32>
    %broadcast_in_dim3A_207 = vector.shape_cast %reduce_sum3A_206 : vector<256xi32> to vector<256x1xi32>
    %ge3A_208 = arith.cmpi sge, %broadcast_in_dim3A_207, %select_n3A_35 : vector<256x1xi32>
    %select_n3A_209 = arith.select %ge3A_208, %or3A_200, %select_n3A_197 : vector<256x1xi1>, vector<256x1xi32>
    %or3A_210 = arith.constant 65536 : i32
    %or3A_211 = vector.broadcast %or3A_210 : i32 to vector<256x1xi32>
    %or3A_212 = arith.ori %select_n3A_209, %or3A_211 : vector<256x1xi32>
    %ge3A_213 = vector.broadcast %or3A_212 : vector<256x1xi32> to vector<256x2048xi32>
    %ge3A_214 = arith.cmpi sge, %and3A_40, %ge3A_213 : vector<256x2048xi32>
    %and3A_215 = arith.andi %xor3A_37, %ge3A_214 : vector<256x2048xi1>
    %convert_element_type3A_216 = arith.extui %and3A_215 : vector<256x2048xi1> to vector<256x2048xi32>
    %reduce_sum3A_217 = arith.constant dense<0> : vector<256xi32>
    %reduce_sum3A_218 = vector.multi_reduction <add>, %convert_element_type3A_216, %reduce_sum3A_217 [1] : vector<256x2048xi32> to vector<256xi32>
    %broadcast_in_dim3A_219 = vector.shape_cast %reduce_sum3A_218 : vector<256xi32> to vector<256x1xi32>
    %ge3A_220 = arith.cmpi sge, %broadcast_in_dim3A_219, %select_n3A_35 : vector<256x1xi32>
    %select_n3A_221 = arith.select %ge3A_220, %or3A_212, %select_n3A_209 : vector<256x1xi1>, vector<256x1xi32>
    %or3A_222 = arith.constant 32768 : i32
    %or3A_223 = vector.broadcast %or3A_222 : i32 to vector<256x1xi32>
    %or3A_224 = arith.ori %select_n3A_221, %or3A_223 : vector<256x1xi32>
    %ge3A_225 = vector.broadcast %or3A_224 : vector<256x1xi32> to vector<256x2048xi32>
    %ge3A_226 = arith.cmpi sge, %and3A_40, %ge3A_225 : vector<256x2048xi32>
    %and3A_227 = arith.andi %xor3A_37, %ge3A_226 : vector<256x2048xi1>
    %convert_element_type3A_228 = arith.extui %and3A_227 : vector<256x2048xi1> to vector<256x2048xi32>
    %reduce_sum3A_229 = arith.constant dense<0> : vector<256xi32>
    %reduce_sum3A_230 = vector.multi_reduction <add>, %convert_element_type3A_228, %reduce_sum3A_229 [1] : vector<256x2048xi32> to vector<256xi32>
    %broadcast_in_dim3A_231 = vector.shape_cast %reduce_sum3A_230 : vector<256xi32> to vector<256x1xi32>
    %ge3A_232 = arith.cmpi sge, %broadcast_in_dim3A_231, %select_n3A_35 : vector<256x1xi32>
    %select_n3A_233 = arith.select %ge3A_232, %or3A_224, %select_n3A_221 : vector<256x1xi1>, vector<256x1xi32>
    %or3A_234 = arith.constant 16384 : i32
    %or3A_235 = vector.broadcast %or3A_234 : i32 to vector<256x1xi32>
    %or3A_236 = arith.ori %select_n3A_233, %or3A_235 : vector<256x1xi32>
    %ge3A_237 = vector.broadcast %or3A_236 : vector<256x1xi32> to vector<256x2048xi32>
    %ge3A_238 = arith.cmpi sge, %and3A_40, %ge3A_237 : vector<256x2048xi32>
    %and3A_239 = arith.andi %xor3A_37, %ge3A_238 : vector<256x2048xi1>
    %convert_element_type3A_240 = arith.extui %and3A_239 : vector<256x2048xi1> to vector<256x2048xi32>
    %reduce_sum3A_241 = arith.constant dense<0> : vector<256xi32>
    %reduce_sum3A_242 = vector.multi_reduction <add>, %convert_element_type3A_240, %reduce_sum3A_241 [1] : vector<256x2048xi32> to vector<256xi32>
    %broadcast_in_dim3A_243 = vector.shape_cast %reduce_sum3A_242 : vector<256xi32> to vector<256x1xi32>
    %ge3A_244 = arith.cmpi sge, %broadcast_in_dim3A_243, %select_n3A_35 : vector<256x1xi32>
    %select_n3A_245 = arith.select %ge3A_244, %or3A_236, %select_n3A_233 : vector<256x1xi1>, vector<256x1xi32>
    %or3A_246 = arith.constant 8192 : i32
    %or3A_247 = vector.broadcast %or3A_246 : i32 to vector<256x1xi32>
    %or3A_248 = arith.ori %select_n3A_245, %or3A_247 : vector<256x1xi32>
    %ge3A_249 = vector.broadcast %or3A_248 : vector<256x1xi32> to vector<256x2048xi32>
    %ge3A_250 = arith.cmpi sge, %and3A_40, %ge3A_249 : vector<256x2048xi32>
    %and3A_251 = arith.andi %xor3A_37, %ge3A_250 : vector<256x2048xi1>
    %convert_element_type3A_252 = arith.extui %and3A_251 : vector<256x2048xi1> to vector<256x2048xi32>
    %reduce_sum3A_253 = arith.constant dense<0> : vector<256xi32>
    %reduce_sum3A_254 = vector.multi_reduction <add>, %convert_element_type3A_252, %reduce_sum3A_253 [1] : vector<256x2048xi32> to vector<256xi32>
    %broadcast_in_dim3A_255 = vector.shape_cast %reduce_sum3A_254 : vector<256xi32> to vector<256x1xi32>
    %ge3A_256 = arith.cmpi sge, %broadcast_in_dim3A_255, %select_n3A_35 : vector<256x1xi32>
    %select_n3A_257 = arith.select %ge3A_256, %or3A_248, %select_n3A_245 : vector<256x1xi1>, vector<256x1xi32>
    %or3A_258 = arith.constant 4096 : i32
    %or3A_259 = vector.broadcast %or3A_258 : i32 to vector<256x1xi32>
    %or3A_260 = arith.ori %select_n3A_257, %or3A_259 : vector<256x1xi32>
    %ge3A_261 = vector.broadcast %or3A_260 : vector<256x1xi32> to vector<256x2048xi32>
    %ge3A_262 = arith.cmpi sge, %and3A_40, %ge3A_261 : vector<256x2048xi32>
    %and3A_263 = arith.andi %xor3A_37, %ge3A_262 : vector<256x2048xi1>
    %convert_element_type3A_264 = arith.extui %and3A_263 : vector<256x2048xi1> to vector<256x2048xi32>
    %reduce_sum3A_265 = arith.constant dense<0> : vector<256xi32>
    %reduce_sum3A_266 = vector.multi_reduction <add>, %convert_element_type3A_264, %reduce_sum3A_265 [1] : vector<256x2048xi32> to vector<256xi32>
    %broadcast_in_dim3A_267 = vector.shape_cast %reduce_sum3A_266 : vector<256xi32> to vector<256x1xi32>
    %ge3A_268 = arith.cmpi sge, %broadcast_in_dim3A_267, %select_n3A_35 : vector<256x1xi32>
    %select_n3A_269 = arith.select %ge3A_268, %or3A_260, %select_n3A_257 : vector<256x1xi1>, vector<256x1xi32>
    %or3A_270 = arith.constant 2048 : i32
    %or3A_271 = vector.broadcast %or3A_270 : i32 to vector<256x1xi32>
    %or3A_272 = arith.ori %select_n3A_269, %or3A_271 : vector<256x1xi32>
    %ge3A_273 = vector.broadcast %or3A_272 : vector<256x1xi32> to vector<256x2048xi32>
    %ge3A_274 = arith.cmpi sge, %and3A_40, %ge3A_273 : vector<256x2048xi32>
    %and3A_275 = arith.andi %xor3A_37, %ge3A_274 : vector<256x2048xi1>
    %convert_element_type3A_276 = arith.extui %and3A_275 : vector<256x2048xi1> to vector<256x2048xi32>
    %reduce_sum3A_277 = arith.constant dense<0> : vector<256xi32>
    %reduce_sum3A_278 = vector.multi_reduction <add>, %convert_element_type3A_276, %reduce_sum3A_277 [1] : vector<256x2048xi32> to vector<256xi32>
    %broadcast_in_dim3A_279 = vector.shape_cast %reduce_sum3A_278 : vector<256xi32> to vector<256x1xi32>
    %ge3A_280 = arith.cmpi sge, %broadcast_in_dim3A_279, %select_n3A_35 : vector<256x1xi32>
    %select_n3A_281 = arith.select %ge3A_280, %or3A_272, %select_n3A_269 : vector<256x1xi1>, vector<256x1xi32>
    %or3A_282 = arith.constant 1024 : i32
    %or3A_283 = vector.broadcast %or3A_282 : i32 to vector<256x1xi32>
    %or3A_284 = arith.ori %select_n3A_281, %or3A_283 : vector<256x1xi32>
    %ge3A_285 = vector.broadcast %or3A_284 : vector<256x1xi32> to vector<256x2048xi32>
    %ge3A_286 = arith.cmpi sge, %and3A_40, %ge3A_285 : vector<256x2048xi32>
    %and3A_287 = arith.andi %xor3A_37, %ge3A_286 : vector<256x2048xi1>
    %convert_element_type3A_288 = arith.extui %and3A_287 : vector<256x2048xi1> to vector<256x2048xi32>
    %reduce_sum3A_289 = arith.constant dense<0> : vector<256xi32>
    %reduce_sum3A_290 = vector.multi_reduction <add>, %convert_element_type3A_288, %reduce_sum3A_289 [1] : vector<256x2048xi32> to vector<256xi32>
    %broadcast_in_dim3A_291 = vector.shape_cast %reduce_sum3A_290 : vector<256xi32> to vector<256x1xi32>
    %ge3A_292 = arith.cmpi sge, %broadcast_in_dim3A_291, %select_n3A_35 : vector<256x1xi32>
    %select_n3A_293 = arith.select %ge3A_292, %or3A_284, %select_n3A_281 : vector<256x1xi1>, vector<256x1xi32>
    %or3A_294 = arith.constant 512 : i32
    %or3A_295 = vector.broadcast %or3A_294 : i32 to vector<256x1xi32>
    %or3A_296 = arith.ori %select_n3A_293, %or3A_295 : vector<256x1xi32>
    %ge3A_297 = vector.broadcast %or3A_296 : vector<256x1xi32> to vector<256x2048xi32>
    %ge3A_298 = arith.cmpi sge, %and3A_40, %ge3A_297 : vector<256x2048xi32>
    %and3A_299 = arith.andi %xor3A_37, %ge3A_298 : vector<256x2048xi1>
    %convert_element_type3A_300 = arith.extui %and3A_299 : vector<256x2048xi1> to vector<256x2048xi32>
    %reduce_sum3A_301 = arith.constant dense<0> : vector<256xi32>
    %reduce_sum3A_302 = vector.multi_reduction <add>, %convert_element_type3A_300, %reduce_sum3A_301 [1] : vector<256x2048xi32> to vector<256xi32>
    %broadcast_in_dim3A_303 = vector.shape_cast %reduce_sum3A_302 : vector<256xi32> to vector<256x1xi32>
    %ge3A_304 = arith.cmpi sge, %broadcast_in_dim3A_303, %select_n3A_35 : vector<256x1xi32>
    %select_n3A_305 = arith.select %ge3A_304, %or3A_296, %select_n3A_293 : vector<256x1xi1>, vector<256x1xi32>
    %or3A_306 = arith.constant 256 : i32
    %or3A_307 = vector.broadcast %or3A_306 : i32 to vector<256x1xi32>
    %or3A_308 = arith.ori %select_n3A_305, %or3A_307 : vector<256x1xi32>
    %ge3A_309 = vector.broadcast %or3A_308 : vector<256x1xi32> to vector<256x2048xi32>
    %ge3A_310 = arith.cmpi sge, %and3A_40, %ge3A_309 : vector<256x2048xi32>
    %and3A_311 = arith.andi %xor3A_37, %ge3A_310 : vector<256x2048xi1>
    %convert_element_type3A_312 = arith.extui %and3A_311 : vector<256x2048xi1> to vector<256x2048xi32>
    %reduce_sum3A_313 = arith.constant dense<0> : vector<256xi32>
    %reduce_sum3A_314 = vector.multi_reduction <add>, %convert_element_type3A_312, %reduce_sum3A_313 [1] : vector<256x2048xi32> to vector<256xi32>
    %broadcast_in_dim3A_315 = vector.shape_cast %reduce_sum3A_314 : vector<256xi32> to vector<256x1xi32>
    %ge3A_316 = arith.cmpi sge, %broadcast_in_dim3A_315, %select_n3A_35 : vector<256x1xi32>
    %select_n3A_317 = arith.select %ge3A_316, %or3A_308, %select_n3A_305 : vector<256x1xi1>, vector<256x1xi32>
    %or3A_318 = arith.constant 128 : i32
    %or3A_319 = vector.broadcast %or3A_318 : i32 to vector<256x1xi32>
    %or3A_320 = arith.ori %select_n3A_317, %or3A_319 : vector<256x1xi32>
    %ge3A_321 = vector.broadcast %or3A_320 : vector<256x1xi32> to vector<256x2048xi32>
    %ge3A_322 = arith.cmpi sge, %and3A_40, %ge3A_321 : vector<256x2048xi32>
    %and3A_323 = arith.andi %xor3A_37, %ge3A_322 : vector<256x2048xi1>
    %convert_element_type3A_324 = arith.extui %and3A_323 : vector<256x2048xi1> to vector<256x2048xi32>
    %reduce_sum3A_325 = arith.constant dense<0> : vector<256xi32>
    %reduce_sum3A_326 = vector.multi_reduction <add>, %convert_element_type3A_324, %reduce_sum3A_325 [1] : vector<256x2048xi32> to vector<256xi32>
    %broadcast_in_dim3A_327 = vector.shape_cast %reduce_sum3A_326 : vector<256xi32> to vector<256x1xi32>
    %ge3A_328 = arith.cmpi sge, %broadcast_in_dim3A_327, %select_n3A_35 : vector<256x1xi32>
    %select_n3A_329 = arith.select %ge3A_328, %or3A_320, %select_n3A_317 : vector<256x1xi1>, vector<256x1xi32>
    %or3A_330 = arith.constant 64 : i32
    %or3A_331 = vector.broadcast %or3A_330 : i32 to vector<256x1xi32>
    %or3A_332 = arith.ori %select_n3A_329, %or3A_331 : vector<256x1xi32>
    %ge3A_333 = vector.broadcast %or3A_332 : vector<256x1xi32> to vector<256x2048xi32>
    %ge3A_334 = arith.cmpi sge, %and3A_40, %ge3A_333 : vector<256x2048xi32>
    %and3A_335 = arith.andi %xor3A_37, %ge3A_334 : vector<256x2048xi1>
    %convert_element_type3A_336 = arith.extui %and3A_335 : vector<256x2048xi1> to vector<256x2048xi32>
    %reduce_sum3A_337 = arith.constant dense<0> : vector<256xi32>
    %reduce_sum3A_338 = vector.multi_reduction <add>, %convert_element_type3A_336, %reduce_sum3A_337 [1] : vector<256x2048xi32> to vector<256xi32>
    %broadcast_in_dim3A_339 = vector.shape_cast %reduce_sum3A_338 : vector<256xi32> to vector<256x1xi32>
    %ge3A_340 = arith.cmpi sge, %broadcast_in_dim3A_339, %select_n3A_35 : vector<256x1xi32>
    %select_n3A_341 = arith.select %ge3A_340, %or3A_332, %select_n3A_329 : vector<256x1xi1>, vector<256x1xi32>
    %or3A_342 = arith.constant 32 : i32
    %or3A_343 = vector.broadcast %or3A_342 : i32 to vector<256x1xi32>
    %or3A_344 = arith.ori %select_n3A_341, %or3A_343 : vector<256x1xi32>
    %ge3A_345 = vector.broadcast %or3A_344 : vector<256x1xi32> to vector<256x2048xi32>
    %ge3A_346 = arith.cmpi sge, %and3A_40, %ge3A_345 : vector<256x2048xi32>
    %and3A_347 = arith.andi %xor3A_37, %ge3A_346 : vector<256x2048xi1>
    %convert_element_type3A_348 = arith.extui %and3A_347 : vector<256x2048xi1> to vector<256x2048xi32>
    %reduce_sum3A_349 = arith.constant dense<0> : vector<256xi32>
    %reduce_sum3A_350 = vector.multi_reduction <add>, %convert_element_type3A_348, %reduce_sum3A_349 [1] : vector<256x2048xi32> to vector<256xi32>
    %broadcast_in_dim3A_351 = vector.shape_cast %reduce_sum3A_350 : vector<256xi32> to vector<256x1xi32>
    %ge3A_352 = arith.cmpi sge, %broadcast_in_dim3A_351, %select_n3A_35 : vector<256x1xi32>
    %select_n3A_353 = arith.select %ge3A_352, %or3A_344, %select_n3A_341 : vector<256x1xi1>, vector<256x1xi32>
    %or3A_354 = arith.constant 16 : i32
    %or3A_355 = vector.broadcast %or3A_354 : i32 to vector<256x1xi32>
    %or3A_356 = arith.ori %select_n3A_353, %or3A_355 : vector<256x1xi32>
    %ge3A_357 = vector.broadcast %or3A_356 : vector<256x1xi32> to vector<256x2048xi32>
    %ge3A_358 = arith.cmpi sge, %and3A_40, %ge3A_357 : vector<256x2048xi32>
    %and3A_359 = arith.andi %xor3A_37, %ge3A_358 : vector<256x2048xi1>
    %convert_element_type3A_360 = arith.extui %and3A_359 : vector<256x2048xi1> to vector<256x2048xi32>
    %reduce_sum3A_361 = arith.constant dense<0> : vector<256xi32>
    %reduce_sum3A_362 = vector.multi_reduction <add>, %convert_element_type3A_360, %reduce_sum3A_361 [1] : vector<256x2048xi32> to vector<256xi32>
    %broadcast_in_dim3A_363 = vector.shape_cast %reduce_sum3A_362 : vector<256xi32> to vector<256x1xi32>
    %ge3A_364 = arith.cmpi sge, %broadcast_in_dim3A_363, %select_n3A_35 : vector<256x1xi32>
    %select_n3A_365 = arith.select %ge3A_364, %or3A_356, %select_n3A_353 : vector<256x1xi1>, vector<256x1xi32>
    %or3A_366 = arith.constant 8 : i32
    %or3A_367 = vector.broadcast %or3A_366 : i32 to vector<256x1xi32>
    %or3A_368 = arith.ori %select_n3A_365, %or3A_367 : vector<256x1xi32>
    %ge3A_369 = vector.broadcast %or3A_368 : vector<256x1xi32> to vector<256x2048xi32>
    %ge3A_370 = arith.cmpi sge, %and3A_40, %ge3A_369 : vector<256x2048xi32>
    %and3A_371 = arith.andi %xor3A_37, %ge3A_370 : vector<256x2048xi1>
    %convert_element_type3A_372 = arith.extui %and3A_371 : vector<256x2048xi1> to vector<256x2048xi32>
    %reduce_sum3A_373 = arith.constant dense<0> : vector<256xi32>
    %reduce_sum3A_374 = vector.multi_reduction <add>, %convert_element_type3A_372, %reduce_sum3A_373 [1] : vector<256x2048xi32> to vector<256xi32>
    %broadcast_in_dim3A_375 = vector.shape_cast %reduce_sum3A_374 : vector<256xi32> to vector<256x1xi32>
    %ge3A_376 = arith.cmpi sge, %broadcast_in_dim3A_375, %select_n3A_35 : vector<256x1xi32>
    %select_n3A_377 = arith.select %ge3A_376, %or3A_368, %select_n3A_365 : vector<256x1xi1>, vector<256x1xi32>
    %or3A_378 = arith.constant 4 : i32
    %or3A_379 = vector.broadcast %or3A_378 : i32 to vector<256x1xi32>
    %or3A_380 = arith.ori %select_n3A_377, %or3A_379 : vector<256x1xi32>
    %ge3A_381 = vector.broadcast %or3A_380 : vector<256x1xi32> to vector<256x2048xi32>
    %ge3A_382 = arith.cmpi sge, %and3A_40, %ge3A_381 : vector<256x2048xi32>
    %and3A_383 = arith.andi %xor3A_37, %ge3A_382 : vector<256x2048xi1>
    %convert_element_type3A_384 = arith.extui %and3A_383 : vector<256x2048xi1> to vector<256x2048xi32>
    %reduce_sum3A_385 = arith.constant dense<0> : vector<256xi32>
    %reduce_sum3A_386 = vector.multi_reduction <add>, %convert_element_type3A_384, %reduce_sum3A_385 [1] : vector<256x2048xi32> to vector<256xi32>
    %broadcast_in_dim3A_387 = vector.shape_cast %reduce_sum3A_386 : vector<256xi32> to vector<256x1xi32>
    %ge3A_388 = arith.cmpi sge, %broadcast_in_dim3A_387, %select_n3A_35 : vector<256x1xi32>
    %select_n3A_389 = arith.select %ge3A_388, %or3A_380, %select_n3A_377 : vector<256x1xi1>, vector<256x1xi32>
    %or3A_390 = arith.constant 2 : i32
    %or3A_391 = vector.broadcast %or3A_390 : i32 to vector<256x1xi32>
    %or3A_392 = arith.ori %select_n3A_389, %or3A_391 : vector<256x1xi32>
    %ge3A_393 = vector.broadcast %or3A_392 : vector<256x1xi32> to vector<256x2048xi32>
    %ge3A_394 = arith.cmpi sge, %and3A_40, %ge3A_393 : vector<256x2048xi32>
    %and3A_395 = arith.andi %xor3A_37, %ge3A_394 : vector<256x2048xi1>
    %convert_element_type3A_396 = arith.extui %and3A_395 : vector<256x2048xi1> to vector<256x2048xi32>
    %reduce_sum3A_397 = arith.constant dense<0> : vector<256xi32>
    %reduce_sum3A_398 = vector.multi_reduction <add>, %convert_element_type3A_396, %reduce_sum3A_397 [1] : vector<256x2048xi32> to vector<256xi32>
    %broadcast_in_dim3A_399 = vector.shape_cast %reduce_sum3A_398 : vector<256xi32> to vector<256x1xi32>
    %ge3A_400 = arith.cmpi sge, %broadcast_in_dim3A_399, %select_n3A_35 : vector<256x1xi32>
    %select_n3A_401 = arith.select %ge3A_400, %or3A_392, %select_n3A_389 : vector<256x1xi1>, vector<256x1xi32>
    %or3A_402 = arith.constant 1 : i32
    %or3A_403 = vector.broadcast %or3A_402 : i32 to vector<256x1xi32>
    %or3A_404 = arith.ori %select_n3A_401, %or3A_403 : vector<256x1xi32>
    %ge3A_405 = vector.broadcast %or3A_404 : vector<256x1xi32> to vector<256x2048xi32>
    %ge3A_406 = arith.cmpi sge, %and3A_40, %ge3A_405 : vector<256x2048xi32>
    %and3A_407 = arith.andi %xor3A_37, %ge3A_406 : vector<256x2048xi1>
    %convert_element_type3A_408 = arith.extui %and3A_407 : vector<256x2048xi1> to vector<256x2048xi32>
    %reduce_sum3A_409 = arith.constant dense<0> : vector<256xi32>
    %reduce_sum3A_410 = vector.multi_reduction <add>, %convert_element_type3A_408, %reduce_sum3A_409 [1] : vector<256x2048xi32> to vector<256xi32>
    %broadcast_in_dim3A_411 = vector.shape_cast %reduce_sum3A_410 : vector<256xi32> to vector<256x1xi32>
    %ge3A_412 = arith.cmpi sge, %broadcast_in_dim3A_411, %select_n3A_35 : vector<256x1xi32>
    %select_n3A_413 = arith.select %ge3A_412, %or3A_404, %select_n3A_401 : vector<256x1xi1>, vector<256x1xi32>
    %or3A_414 = arith.constant -2147483648 : i32
    %or3A_415 = vector.broadcast %or3A_414 : i32 to vector<256x1xi32>
    %or3A_416 = arith.ori %select_n3A_413, %or3A_415 : vector<256x1xi32>
    %select_n3A_417 = arith.select %lt3A_30, %or3A_416, %select_n3A_413 : vector<256x1xi1>, vector<256x1xi32>
    %ge3A_418 = vector.broadcast %select_n3A_417 : vector<256x1xi32> to vector<256x2048xi32>
    %ge3A_419 = arith.cmpi sge, %xor3A, %ge3A_418 : vector<256x2048xi32>
    %jit3A_420 = arith.constant 0.000000e+00 : f32
    %broadcast_in_dim3A_421 = vector.broadcast %jit3A_420 : f32 to vector<256x2048xf32>
    %select_n3A_422 = arith.select %ge3A_419, %div3A_19, %broadcast_in_dim3A_421 : vector<256x2048xi1>, vector<256x2048xf32>
    %get3A_423 = arith.constant 0 : index
    %get3A_424 = arith.constant 0 : index
    %get3A_425 = vector.load %arg2[%get3A_423, %get3A_424] : memref<2048x256xf32, #tpu.memory_space<vmem>>, vector<2048x256xf32>
    %dot_general3A_426 = arith.constant dense<0.000000e+00> : vector<256x256xf32>
    %dot_general3A_427 = tpu.matmul %select_n3A_422, %get3A_425, %dot_general3A_426 {dimension_numbers = #tpu.dot_dimension_numbers<[1], [0], [0], [1], [0, 0, 1, 1], [], []>, transpose_lhs_hint = false} : vector<256x2048xf32>, vector<2048x256xf32>, vector<256x256xf32> -> vector<256x256xf32>
    %swap3A = arith.constant 0 : index
    %swap3A_428 = arith.constant 0 : index
    %swap3A_429 = vector.load %arg3[%swap3A, %swap3A_428] : memref<256x256xf32, #tpu.memory_space<vmem>>, vector<256x256xf32>
    tpu.vector_store %arg3[%swap3A, %swap3A_428], %dot_general3A_427 {strides = array<i32>} : memref<256x256xf32, #tpu.memory_space<vmem>>, vector<256x256xf32>,
    return
  }
  func.func @transform_0(%arg0: i32) -> (i32, i32) {
    %c0_i32 = arith.constant 0 : i32
    %c0_i32_0 = arith.constant 0 : i32
    %c0_i32_1 = arith.constant 0 : i32
    return %c0_i32, %c0_i32_0 : i32, i32
  }
  func.func @transform_1(%arg0: i32) -> (i32, i32) {
    %c0_i32 = arith.constant 0 : i32
    %c0_i32_0 = arith.constant 0 : i32
    %c0_i32_1 = arith.constant 0 : i32
    return %c0_i32, %c0_i32_0 : i32, i32
  }
  func.func @transform_2(%arg0: i32) -> (i32, i32) {
    %c0_i32 = arith.constant 0 : i32
    %c0_i32_0 = arith.constant 0 : i32
    return %arg0, %c0_i32 : i32, i32
  }
}

</mosaic_0001>

<sc_bundles>
// kernel: scatter_offload_async_start
scs
__scs_entry_jumppad:
0x0: {  	(pc) =	sbr.rel $0x88, $3  }
0x1: {  	(tag) =	ssettag $0x0;
	lr =	simm.s32 $0x1  }
0x2: {  	[smem:$0x3F94] =	sst lr;
	_ =	strace $0xD0000000  }
0x3: {  	_ = 	snop  }
0x4: {  	_ = 	snop  }
0x5: {  	_ = 	snop  }
0x6: {  	_ = 	snop  }
0x7: {  	_ = 	snop  }
__scs_overlays_trampoline_lowered:
0x8: {  	[smem:$0x3FA3] =	sst s0  }
0x9: {  	[smem:$0x3FA4] =	sst s1  }
0xa: {  	[smem:$0x3FA5] =	sst s2  }
0xb: {  	[smem:$0x3FA6] =	sst s3  }
0xc: {  	[smem:$0x3FA7] =	sst s4  }
0xd: {  	[smem:$0x3FA8] =	sst s5  }
0xe: {  	[smem:$0x3FA9] =	sst s6  }
0xf: {  	[smem:$0x3FAA] =	sst s7  }
0x10: {  	[smem:$0x3FAB] =	sst s8  }
0x11: {  	[smem:$0x3FAC] =	sst s9;
	s0 =	simm.s32 @!p0 $0x0  }
0x12: {  	s1 =	sld [smem:$0x3F92];
	s0 =	simm.s32 @p0 $0x1  }
0x13: {  	[smem:$0x3FAD] =	sst s0;
	s0 =	simm.s32 @!p1 $0x0  }
0x14: {  	s2 =	sld [smem:$0x3F91];
	s0 =	simm.s32 @p1 $0x1  }
0x15: {  	[smem:$0x3FAE] =	sst s0;
	s0 =	simm.s32 @!p2 $0x0  }
0x16: {  	s3 =	sld [smem:$0x3FDB];
	s0 =	simm.s32 @p2 $0x1  }
0x17: {  	s4 =	simm.s32 $0x1BF5;
	[smem:$0x3FB0] =	sst s0  }
0x18: {  	s0 =	sld [smem:$0x3F93];
	_ =	swait.ge [sflag:s4], $0x0  }
0x19: {  	s7 =	sld [smem:$0x3F94]  }
0x1a: {  	s8 =	sadd.s32 $0xFFFFE003, lr  }
0x1b: {  	s9 =	sadd.s32 $0xFFFFFEF7, lr;
	s5 =	simm.s32 $0xFFFFFFFF;
	p2 =	slt.u32 s8, $0xFFFFF086  }
0x1c: {  	p1 =	slt.u32 s9, $0xF7A;
	s5 =	simm.s32 @!p2 $0x0  }
0x1d: {  	s5 =	simm.s32 @p1 $0x1;
	p0 =	seq.s32 s7, s2  }
0x1e: {  	s7 =	smul.u32 @!p0 $0xF7A, s2;
	p2 =	seq.s32 @!p0 s5, $0x0  }
0x1f: {  	s9 =	smul.u32 $0xF7A, s1;
	s8 =	simm.s32 @!p0 $0x1BF5;
	p2 =	por !p2, p0  }
0x20: {  	[sflag:s8] =	ssyncset.s32 @!p0 $0xFFFFF086;
	s6 =	sadd.s32 @!p0 s3, s7;
	s7 =	simm.s32 @!p0 $0x108  }
0x21: {  	s3 =	sadd.s32 s3, s9;
	s6 =	sadd.s32 @!p0 $0x88, s6;
	s7 =	simm.s32 @p2 $0x1082  }
0x22: {  	[simem:s7], [sflag:s8] =	dma.local @!p0 [hbm:s6], $0xF7A  }
0x23: {  	s9 =	sor.u32 $0xD0000000, s2;
	s6 =	simm.s32 $0x108;
	_ =	swait.ge @!p0 [sflag:s8], $0x0  }
0x24: {  	s3 =	sadd.s32 $0x88, s3;
	s6 =	simm.s32 @!p1 $0x1082;
	[sflag:s4] =	ssyncset.s32 $0xFFFFF086  }
0x25: {  	[simem:s6], [sflag:s4] =	dma.local [hbm:s3], $0xF7A  }
0x26: {  	[smem:$0x3F94] =	sst s1;
	(tag) =	ssettag s2;
	_ =	strace s9  }
0x27: {  	s1 =	sld [smem:$0x3FA4]  }
0x28: {  	s2 =	sld [smem:$0x3FA5]  }
0x29: {  	s4 =	sld [smem:$0x3FA7]  }
0x2a: {  	p0 =	seq.s32 s5, $0x0;
	s5 =	sld [smem:$0x3FA8]  }
0x2b: {  	s6 =	sld [smem:$0x3FA9]  }
0x2c: {  	s7 =	sld [smem:$0x3FAA]  }
0x2d: {  	s3 =	simm.s32 $0x108;
	s8 =	sld [smem:$0x3FAB]  }
0x2e: {  	s3 =	simm.s32 @!p0 $0x1082;
	s9 =	sld [smem:$0x3FAC]  }
0x2f: {  	lr =	sadd.s32 s0, s3;
	s0 =	sld [smem:$0x3FA3]  }
0x30: {  	s3 =	sld [smem:$0x3FA6]  }
0x31: {  	[smem:$0x3FAF] =	sst s10  }
0x32: {  	s10 =	sld [smem:$0x3FAD];
	_ =	sdelay $0x3  }
0x33: {  	p0 =	seq.s32 s10, $0x1;
	s10 =	sld [smem:$0x3FAF];
	_ =	sdelay $0x3  }
0x34: {  	[smem:$0x3FAF] =	sst s10  }
0x35: {  	s10 =	sld [smem:$0x3FAE];
	_ =	sdelay $0x3  }
0x36: {  	p1 =	seq.s32 s10, $0x1;
	s10 =	sld [smem:$0x3FAF];
	_ =	sdelay $0x3  }
0x37: {  	[smem:$0x3FAF] =	sst s10  }
0x38: {  	s10 =	sld [smem:$0x3FB0]  }
0x39: {  	_ = 	snop;
	(pc) =	sbr.ind lr, $3  }
0x3a: {  	_ = 	snop  }
0x3b: {  	_ = 	snop  }
0x3c: {  	p2 =	seq.s32 s10, $0x1;
	s10 =	sld [smem:$0x3FAF]  }
0x3d: {  	_ =	shalt  }
0x3e: {  	_ =	shalt  }
0x3f: {  	_ =	shalt  }
0x40: {  	_ =	shalt  }
0x41: {  	_ =	shalt  }
0x42: {  	_ =	shalt  }
0x43: {  	_ =	shalt  }
0x44: {  	_ =	shalt  }
0x45: {  	_ =	shalt  }
0x46: {  	_ =	shalt  }
0x47: {  	_ =	shalt  }
0x48: {  	_ =	shalt  }
0x49: {  	_ =	shalt  }
0x4a: {  	_ =	shalt  }
0x4b: {  	_ =	shalt  }
0x4c: {  	_ =	shalt  }
0x4d: {  	_ =	shalt  }
0x4e: {  	_ =	shalt  }
0x4f: {  	_ =	shalt  }
0x50: {  	_ =	shalt  }
0x51: {  	_ =	shalt  }
0x52: {  	_ =	shalt  }
0x53: {  	_ =	shalt  }
0x54: {  	_ =	shalt  }
0x55: {  	_ =	shalt  }
0x56: {  	_ =	shalt  }
0x57: {  	_ =	shalt  }
0x58: {  	_ =	shalt  }
0x59: {  	_ =	shalt  }
0x5a: {  	_ =	shalt  }
0x5b: {  	_ =	shalt  }
0x5c: {  	_ =	shalt  }
0x5d: {  	_ =	shalt  }
0x5e: {  	_ =	shalt  }
0x5f: {  	_ =	shalt  }
0x60: {  	_ =	shalt  }
0x61: {  	_ =	shalt  }
0x62: {  	_ =	shalt  }
0x63: {  	_ =	shalt  }
0x64: {  	_ =	shalt  }
0x65: {  	_ =	shalt  }
0x66: {  	_ =	shalt  }
0x67: {  	_ =	shalt  }
0x68: {  	_ =	shalt  }
0x69: {  	_ =	shalt  }
0x6a: {  	_ =	shalt  }
0x6b: {  	_ =	shalt  }
0x6c: {  	_ =	shalt  }
0x6d: {  	_ =	shalt  }
0x6e: {  	_ =	shalt  }
0x6f: {  	_ =	shalt  }
0x70: {  	_ =	shalt  }
0x71: {  	_ =	shalt  }
0x72: {  	_ =	shalt  }
0x73: {  	_ =	shalt  }
0x74: {  	_ =	shalt  }
0x75: {  	_ =	shalt  }
0x76: {  	_ =	shalt  }
0x77: {  	_ =	shalt  }
0x78: {  	_ =	shalt  }
0x79: {  	_ =	shalt  }
0x7a: {  	_ =	shalt  }
0x7b: {  	_ =	shalt  }
0x7c: {  	_ =	shalt  }
0x7d: {  	_ =	shalt  }
0x7e: {  	_ =	shalt  }
0x7f: {  	_ =	shalt  }
0x80: {  	_ =	shalt  }
0x81: {  	_ =	shalt  }
0x82: {  	_ =	shalt  }
0x83: {  	_ =	shalt  }
0x84: {  	_ =	shalt  }
0x85: {  	_ =	shalt  }
0x86: {  	_ =	shalt  }
0x87: {  	_ =	shalt  }
.Lfunc_end0:
.L_simem_size_0:
called_computation_lowered:
.L_overlay_start_0:
0x88: {  	s0 =	sld [smem:$0x3FD9]  }
0x89: {  	s1 =	sld [smem:$0x3FFE];
	_ =	sdelay $0x3  }
0x8a: {  	s0 =	sadd.s32 s1, s0  }
0x8b: {  	[smem:$0x3FBB] =	sst s0  }
0x8c: {  	_ = 	snop  }
0x8d: {  	(tm) =	ssettm $0x1  }
0x8e: {  	s15 =	sld [smem:$0x3FFB];
	_ =	sdelay $0x3  }
0x8f: {  	_ =	strace s15  }
0x90: {  	s0 =	sld [smem:$0x3FFC];
	_ =	sdelay $0x3  }
0x91: {  	_ =	strace s0  }
0x92: {  	s0 =	sld [smem:$0x3FFD];
	_ =	sdelay $0x3  }
0x93: {  	_ =	strace s0  }
0x94: {  	_ =	strace $0x8FFFFFFF  }
0x95: {  	s16 =	sld [smem:$0x3FDB];
	_ =	sdelay $0x1  }
0x96: {  	s17 =	simm.s32 $_scs_section_size  }
0x97: {  	s2 =	simm.s32 $_size__tile_overlayer_lowered;
	s3 =	simm.s32 $_tile_overlayer_lowered  }
0x98: {  	s20 =	simm.s32 $0x1BFF;
	s19 =	sshll.u32 s3, $0x1;
	s0 =	sadd.s32 s17, s16  }
0x99: {  	s4 =	simm.s32 $0x0;
	s18 =	sshll.u32 s2, $0x1;
	s2 =	sadd.s32 s19, s0  }
0x9a: {  	[timem:s4], [sflag:s20] =	dma.local [hbm:s2], s18  }
0x9b: {  	_ =	swait.ge [sflag:s20], s18  }
0x9c: {  	s1 =	ssub.s32 $0x0, s18;
	[sflag:s20] =	ssyncset.done $0x0  }
0x9d: {  	[sflag:s20] =	ssyncadd.s32 s1;
	_ =	sdelay $0x1  }
0x9e: {  	s21 =	simm.s32 $0x1B8B  }
0x9f: {  	_ =	swait.ge [sflag:s21], $0x1  }
0xa0: {  	[sflag:s21] =	ssyncset.done $0x0  }
0xa1: {  	s23 =	simm.s32 $0x1B8E;
	s22 =	sld [smem:$0x3FFE];
	[sflag:s21] =	ssyncadd.s32 $0xFFFFFFFF  }
0xa2: {  	s24 =	simm.s32 $execute0_lowered;
	[smem:$0x3FD2] =	sst s23  }
0xa3: {  	s2 =	sshll.u32 s24, $0x1;
	_ =	strace $0x80000046;
	[dreg:$0x1] =	wrdreg $0xFFFFFFFF  }
0xa4: {  	s25 =	simm.s32 $_size_execute0_lowered;
	s0 =	sadd.s32 s0, s2;
	[dreg:$0x0] =	wrdreg $0x0  }
0xa5: {  	s2 =	sshll.u32 s25, $0x1;
	[dreg:$0x2] =	wrdreg s0  }
0xa6: {  	[dreg:$0x3] =	wrdreg s2  }
0xa7: {  	[dreg:$0x4] =	wrdreg $0xC0  }
0xa8: {  	_ =	task [dreg:s4], $0x5FFFF  }
0xa9: {  	[dreg:$0x1] =	wrdreg $0xFFFFFFFF  }
0xaa: {  	[dreg:$0x0] =	wrdreg $0x60  }
0xab: {  	[dreg:$0x2] =	wrdreg s22  }
0xac: {  	[dreg:$0x3] =	wrdreg $0x9  }
0xad: {  	_ =	task.clear_ibuf [dreg:s4], $0x4FFFF;
	_ =	strace $0x90000046  }
0xae: {  	s26 =	simm.s32 $0x9;
	_ =	strace $0x80000048  }
0xaf: {  	_ =	swait.ge [sflag:s26], $0x1  }
0xb0: {  	[sflag:s26] =	ssyncadd.s32 $0xFFFFFFFF  }
0xb1: {  	_ =	strace $0x90000048  }
0xb2: {  	_ =	sfence  }
0xb3: {  	s28 =	sld [smem:$0x0];
	_ =	sdelay $0x1  }
0xb4: {  	s29 =	srdreg.scid  }
0xb5: {  	s30 =	sshll.u32 s29, $0xD;
	s31 =	sshrl.u32 s29, $0x2  }
0xb6: {  	s1 =	sand.u32 $0x1, s29;
	s2 =	sand.u32 $0x4000, s30;
	s0 =	sadd.s32 s31, s28  }
0xb7: {  	s1 =	sor.u32 s2, s1;
	s0 =	sshll.u32 s0, $0x11  }
0xb8: {  	s0 =	sor.u32 s0, s1  }
0xb9: {  	s0 =	sadd.s32 $0x8F2B, s0  }
0xba: {  	[sflag:s0] =	ssyncadd.remote.s32 $0x1  }
0xbb: {  	_ =	sfence.sel $0xFFFF  }
0xbc: {  	[dreg:$0x0] =	wrdreg $0xFFFFFFFF;
	(pc) =	sbr.abs _section_cstart, $3  }
0xbd: {  	[dreg:$0x1] =	wrdreg $0xFFFFFFFF  }
0xbe: {  	_ =	task.clear_ibuf [dreg:s4], $0x2FFFF;
	_ =	strace $0x9FFFFFFF  }
0xbf: {  	(tm) =	ssettm $0x7FFFFFFF  }
tec
execute0_lowered:
.L_overlay_start_1:
0x0: {  	(tag) =	ssettag $0x1  }
0x1: {  	s0 =	rddreg [dreg:$0x0];
	_ =	strace $0x80000047;
	s3 =	simm.s32 $0x1  }
0x2: {  	v1 =	vimm.s32 $0xFFFFFFFF;
	[sflag:s3] =	ssyncpa.u1 $0x0  }
0x3: {  	[tilespmem:$0x10] =	vst v1  }
0x4: {  	v0 =	vimm.f32 $-Inf;
	[tilespmem:$0x20] =	vst v1  }
0x5: {  	[tilespmem:$0x30] =	vst v0  }
0x6: {  	s2 =	simm.s32 $0x2;
	s6 =	simm.s32 $0x7;
	[tilespmem:$0x40] =	vst v0  }
0x7: {  	s26 =	stileid.u32;
	s7 =	simm.s32 $0x8;
	s31 =	simm.s32 $0x9;
	[tilespmem:$0x50] =	vst v0  }
0x8: {  	s14 =	simm.s32 $0x0;
	s15 =	simm.s32 $0x100;
	s19 =	simm.s32 $0x4900;
	[tilespmem:$0x60] =	vst v1  }
0x9: {  	s20 =	simm.s32 $0xF;
	s21 =	simm.s32 $0x50;
	s22 =	simm.s32 $0x20FF;
	[tilespmem:$0x70] =	vst v1  }
0xa: {  	s23 =	simm.s32 $0x20;
	s24 =	simm.s32 $0x30;
	s25 =	simm.s32 $0x40FF;
	[tilespmem:$0x80] =	vst v1  }
0xb: {  	s30 =	simm.s32 $0x0;
	s29 =	simm.s32 $0x0;
	s1 =	sadd.s32 $0x3B200, s0;
	v1 =	vimm.s32 $0x0;
	[tilespmem:$0xB0] =	vst v0  }
.Ltmp0:
0xc: {  	s4 =	sadd.s32 $0x39200, s0;
	s5 =	sadd.s32 $0x3A200, s0;
	[tilespmem:$0x90] =	vst v1;
	(pc) =	sbr.rel .LBB2_1-.Ltmp0, $4  }
0xd: {  	s8 =	sshll.u32 s26, $0xB;
	s10 =	sshll.u32 s26, $0x1;
	[tilespmem:$0xA0] =	vst v1;
	[sflag:s2] =	ssyncpa.u1 $0x0  }
0xe: {  	s12 =	sshllo.u32 s26, $0x1;
	s26 =	simm.s32 $0x80;
	[sflag:s6] =	ssyncpa.u1 $0x0  }
0xf: {  	vm0 =	vmmov $0xffff;
	v2 =	vlaneseq.u32;
	vm1 =	vmxor vm1, vm1;
	s9 =	sadd.s32 $0x800, s8;
	s11 =	sor.u32 $0x81, s10;
	[sflag:s7] =	ssyncpa.u1 $0x0  }
0x10: {  	vm2 =	vmmov $0x1;
	v3 =	vimm.f32 $0.0e+00;
	vm3 =	vcmask $0x3F3C;
	s13 =	sor.u32 $0x80, s10;
	s28 =	smov.u32 s8;
	[sflag:s31] =	ssyncpa.u1 $0x0  }
.LBB2_3:
0x11: {  	s0 =	sshrl.u32 s28, $0x3  }
0x12: {  	s2 =	sand.u32 $0x7, s28;
	s0 =	sadd.s32 s4, s0  }
0x13: {  	[tilespmem:s15], [sflag:$0x7] =	stream.linear.gather [hbm4b:s0+s2], $0x800, $0x38;
	[tilespmem:$0x4920] =	vst v63  }
.LBB2_4:
0x14: {  	s0 =	sadd.s32 $0x800, s28  }
0x15: {  	s2 =	smov.u32 s8;
	s29 =	sadd.s32 $0x1, s29;
	p0 =	slt.s32 s0, s9  }
0x16: {  	s2 =	smov.u32 @p0 s0;
	p0 =	sne.s32 s29, $0x4  }
.Ltmp1:
0x17: {  	_ = 	snop;
	(pc) =	sbr.rel @!p0 .LBB2_13-.Ltmp1, $2  }
0x18: {  	_ =	sdelay $0x2  }
0x19: {  	s30 =	smov.u32 s28;
	s28 =	smov.u32 s2  }
.LBB2_1:
0x1a: {  	p0 =	sgt.s32 s29, $0x1  }
.Ltmp2:
0x1b: {  	_ = 	snop;
	(pc) =	sbr.rel @p0 .LBB2_11-.Ltmp2, $1  }
0x1c: {  	_ =	sdelay $0x3  }
0x1d: {  	p0 =	seq.s32 s29, $0x0  }
.Ltmp3:
0x1e: {  	_ = 	snop;
	(pc) =	sbr.rel @p0 .LBB2_3-.Ltmp3, $1  }
0x1f: {  	_ =	sdelay $0x3  }
0x20: {  	_ =	swait.ge [sflag:s6], $0x800  }
0x21: {  	[sflag:s6] =	ssyncset.done $0x0  }
0x22: {  	[sflag:s6] =	ssyncadd.s32 $0xFFFFF800;
	(ifvalue) =	ssetifvalue $0xFFFFFFFF;
	v4 =	vld.msk [tilespmem:s15+$0x0 ss:$0x1], $0xffff;
	_ =	sdelay $0x4  }
0x23: {  	v5 =	vperm.xlane v4, v1  }
0x24: {  	vm4 =	vlt.u32 v4, $0x400000  }
0x25: {  	v4 =	vnsel vm4, $0xFFFFFFFE, v4;
	vm4 =	vlt.u32 v5, $0x400000  }
0x26: {  	[tilespmem:$0x70] =	vst v4;
	v4 =	vnsel vm4, $0xFFFFFFFE, v5  }
0x27: {  	s17 =	simm.s32 $0x8F0;
	[tilespmem:$0x80] =	vst v4  }
0x28: {  	v4 =	vld.msk [tilespmem:s17+$0x0 ss:$0x1], $0xffff;
	_ =	sdelay $0x4  }
0x29: {  	(xrf1) =	vunique.msk.u32 $0xffff, v4;
	_ =	sdelay $0xd  }
0x2a: {  	v5 =	vimm.s32 $0xFFFFFFFF;
	v6, _, _ =	vpop (xrf1)  }
0x2b: {  	vm5 =	vne.s32 v4, v5;
	vm4 =	veq.s32 v6, v2  }
0x2c: {  	vm6 =	vlt.u32 v4, $0x400000;
	vm4 =	vmand vm5, vm4  }
0x2d: {  	vm4 =	vmand vm6, vm4  }
0x2e: {  	v5 =	vnsel vm4, $0xFFFFFFFF, v4;
	_ =	sdelay $0x3  }
0x2f: {  	s0 =	simm.s32 $0x20F0;
	(ifvalue) =	ssetifvalue $0xFFFFFFFF  }
0x30: {  	v4 =	vperm.xlane v4, v1;
	[tilespmem:s0], [sflag:$0x8] =	stream.indirect_vreg.gather [hbm4b:s1+s14], $0x1, v5, vm0, $0x4038;
	v5 =	vnsel vm6, $0xFFFFFFFE, v5;
	[tilespmem:$0x4920] =	vst v63  }
0x31: {  	s2 =	simm.s32 $0x0;
	s16 =	simm.s32 $0x8E0;
	[tilespmem:s17+$0x0] =	vst v5  }
.LBB2_6:
0x32: {  	v5 =	vld.msk [tilespmem:s16+$0x0 ss:$0x1], $0xffff;
	s2 =	sadd.s32 $0x10, s2;
	v6 =	vmov v4;
	s17 =	smov.u32 s16  }
0x33: {  	p0 =	slt.u32 s2, $0x7F0;
	_ =	sdelay $0x4  }
0x34: {  	v4 =	vperm.xlane v5, v1;
	(xrf1) =	vunique.msk.u32 $0xffff, v5;
	_ =	sdelay $0xd  }
0x35: {  	v7, _, _ =	vpop (xrf1)  }
0x36: {  	vm5 =	vne.s32 v5, v6;
	vm4 =	veq.s32 v7, v2  }
0x37: {  	vm6 =	vlt.u32 v5, $0x400000;
	vm4 =	vmand vm5, vm4  }
0x38: {  	vm4 =	vmand vm6, vm4  }
0x39: {  	v5 =	vnsel vm4, $0xFFFFFFFF, v5  }
.Ltmp4:
0x3a: {  	v6 =	vnsel vm6, $0xFFFFFFFE, v5;
	(pc) =	sbr.rel @p0 .LBB2_6-.Ltmp4, $3  }
0x3b: {  	_ =	sdelay $0x1  }
0x3c: {  	s16 =	sadd.s32 $0xFFFFFFF0, s16;
	s0 =	sadd.s32 $0xFFFFFFF0, s0;
	(ifvalue) =	ssetifvalue $0xFFFFFFFF  }
0x3d: {  	[tilespmem:s0], [sflag:$0x8] =	stream.indirect_vreg.gather [hbm4b:s1+s14], $0x1, v5, vm0, $0x4038;
	[tilespmem:s17+$0x0] =	vst v6  }
.Ltmp5:
0x3e: {  	(pc) =	sbr.rel .LBB2_4-.Ltmp5, $4  }
0x3f: {  	_ = 	snop  }
0x40: {  	s0 =	sshrl.u32 s30, $0x3  }
0x41: {  	s2 =	simm.s32 $0x2900;
	s0 =	sadd.s32 s5, s0  }
0x42: {  	[tilespmem:s2], [sflag:$0x8] =	stream.linear.gather [hbm:s0], $0x800, $0x38;
	[tilespmem:$0x4920] =	vst v63  }
.LBB2_11:
0x43: {  	p0 =	seq.s32 s29, $0x2  }
.Ltmp6:
0x44: {  	_ = 	snop;
	(pc) =	sbr.rel @!p0 .LBB2_12-.Ltmp6, $1  }
0x45: {  	_ =	sdelay $0x3  }
0x46: {  	_ =	swait.ge [sflag:s7], $0x1000  }
0x47: {  	[sflag:s7] =	ssyncset.done $0x0  }
0x48: {  	s0 =	simm.s32 $0x8FF;
	[sflag:s7] =	ssyncadd.s32 $0xFFFFF000  }
0x49: {  	[spmem:s11] =	stream.linear.scatter [tilespmem:s0], [sflag:$0x1], $0x1, $0x38;
	[tilespmem:$0x4920] =	vst v63  }
0x4a: {  	_ =	swait.ge [sflag:s3], $0x1  }
0x4b: {  	[sflag:s3] =	ssyncset.done $0x0  }
0x4c: {  	[sflag:s3] =	ssyncadd.s32 $0xFFFFFFFF  }
0x4d: {  	v5 =	vld [tilespmem:$0x10]  }
0x4e: {  	v6 =	vld [tilespmem:$0x70]  }
0x4f: {  	v4 =	vld [tilespmem:$0x80];
	_ =	sdelay $0x2  }
0x50: {  	(v2sf) =	vpush v5, $0x0  }
0x51: {  	(v2sf) =	vpush v6, $0x0  }
0x52: {  	(v2sf) =	vpush v4, $0x0;
	_ =	sdelay $0xc  }
0x53: {  	s18 =	spop (v2sf)  }
0x54: {  	s2 =	spop (v2sf)  }
0x55: {  	s30 =	spop (v2sf)  }
0x56: {  	p0 =	seq.s32 s18, s2;
	p1 =	seq.s32 s30, s18  }
0x57: {  	p1 =	por p0, p1  }
0x58: {  	s2 =	simm.s32 $0x10;
	v5 =	vpsel p1, $0xFFFFFFFF, v5  }
0x59: {  	[tilespmem:s2+$0x0] =	vst.msk $0x1, v5  }
0x5a: {  	v5 =	vld [tilespmem:$0x30]  }
0x5b: {  	v6 =	vld [tilespmem:$0x2900]  }
0x5c: {  	v7 =	vld [tilespmem:$0x40];
	_ =	sdelay $0x2  }
0x5d: {  	vm4 =	vmmov vm1  }
0x5e: {  	vm5 =	vmmov vm2;
	s16 =	simm.s32 $0x2900;
	vm4 =	vmmov @p0 vm2;
	v6 =	vmax.f32 v5, v6  }
0x5f: {  	vm5 =	vmmov @p1 vm1;
	v5 =	vmax.f32 v5, v7;
	[tilespmem:s16+$0x0] =	vst.msk vm4, v6  }
0x60: {  	[tilespmem:s19+$0x0] =	vst.msk vm5, v5  }
0x61: {  	v5 =	vld [tilespmem:$0x20F0];
	_ =	sdelay $0x4  }
0x62: {  	v5 =	vshift.insert v5, v3, s20;
	_ =	sdelay $0x1  }
0x63: {  	v6 =	vimm.f32 $-Inf;
	[tilespmem:s21+$0x0] =	vst.msk $0x1, v5  }
0x64: {  	[tilespmem:s22+$0x0] =	vst.msk $0x1, v6  }
0x65: {  	v5 =	vld [tilespmem:$0x8F0];
	_ =	sdelay $0x4  }
0x66: {  	v5 =	vshift.insert v5, v1, s20;
	_ =	sdelay $0x1  }
0x67: {  	s17 =	simm.s32 $0x100;
	[tilespmem:s23+$0x0] =	vst.msk $0x1, v5  }
0x68: {  	v7 =	vld [tilespmem:s17+$0x0]  }
0x69: {  	v8 =	vld [tilespmem:s16+$0x0];
	_ =	sdelay $0x4  }
0x6a: {  	vm4 =	vne.s32 v7, $0xFFFFFFFF;
	v6 =	vmax.f32 v8, v6  }
0x6b: {  	(xrf0) =	vmax.seg.scan.f32 vm4, v6  }
0x6c: {  	s18 =	simm.s32 $0x1900;
	v8 =	vld [tilespmem:$0xA0]  }
0x6d: {  	v9 =	vld [tilespmem:s18+$0x0];
	_ =	sdelay $0x1  }
0x6e: {  	v6 =	vperm.xlane v5, v1;
	_ =	sdelay $0x1  }
0x6f: {  	vm6 =	veq.s32 v7, v4;
	vm7 =	veq.s32 v7, v6;
	vm5 =	veq.s32 v8, $0x1;
	v8, _, _ =	vpop (xrf0)  }
0x70: {  	vm8 =	vgt.u32 v7, $0xFFFFFFFD;
	vm7 =	vmor vm7, vm6;
	v9 =	vmax.f32 v8, v9  }
0x71: {  	s31 =	simm.s32 $0x3900;
	v10 =	vld [tilespmem:$0x90];
	vm7 =	vmor vm7, vm8;
	v9 =	vsel vm6, v8, v9  }
0x72: {  	[tilespmem:s31+$0x0] =	vst v9;
	v9 =	vsel vm7, $0xFFFFFFFF, v7;
	_ =	sdelay $0x1  }
0x73: {  	vm9 =	vmand vm4, vm3  }
0x74: {  	s0 =	simm.s32 $0x0;
	s2 =	simm.s32 $0x2910;
	s16 =	simm.s32 $0x110;
	v11 =	vsel vm9, $0xFF800000, v8  }
0x75: {  	s17 =	simm.s32 $0x3910;
	s18 =	simm.s32 $0x1910;
	vm4 =	vmor vm5, vm6;
	v7 =	vsel vm6, v8, v10;
	v8 =	vshift.insert v11, v0, s20;
	(ifvalue) =	ssetifvalue $0xFFFFFFFF  }
.LBB2_9:
0x76: {  	[hbm4b:s1+s14] =	stream.indirect_vreg.scatter [tilespmem:s31], [sflag:$0x2], $0x1, v9, vm0, $0x4038;
	[tilespmem:$0x4920] =	vst v63  }
0x77: {  	s0 =	sadd.s32 $0x10, s0;
	s31 =	smov.u32 s17;
	v9 =	vld [tilespmem:s16+$0x0]  }
0x78: {  	p0 =	slt.u32 s0, $0x7F0;
	v10 =	vld [tilespmem:s2+$0x0];
	_ =	sdelay $0x4  }
0x79: {  	vm5 =	vne.s32 v9, $0xFFFFFFFF;
	v8 =	vmax.f32 v10, v8  }
0x7a: {  	(xrf0) =	vmax.seg.scan.f32 vm5, v8;
	_ =	sdelay $0x1  }
0x7b: {  	v8 =	vld [tilespmem:s18+$0x0]  }
0x7c: {  	vm6 =	veq.s32 v9, v4;
	vm7 =	veq.s32 v9, v6  }
0x7d: {  	vm8 =	vgt.u32 v9, $0xFFFFFFFD;
	vm4 =	vmor vm4, vm6;
	vm7 =	vmor vm7, vm6  }
0x7e: {  	vm7 =	vmor vm7, vm8  }
.Ltmp7:
0x7f: {  	vm5 =	vmand vm5, vm3;
	v9 =	vsel vm7, $0xFFFFFFFF, v9;
	v10, _, _ =	vpop (xrf0);
	(pc) =	sbr.rel @p0 .LBB2_9-.Ltmp7, $4  }
0x80: {  	v7 =	vsel vm6, v10, v7;
	v8 =	vmax.f32 v10, v8;
	v11 =	vsel vm5, $0xFF800000, v10  }
0x81: {  	v10 =	vsel vm6, v10, v8;
	v8 =	vshift.insert v11, v0, s20  }
0x82: {  	s16 =	sadd.s32 $0x10, s16;
	s2 =	sadd.s32 $0x10, s2;
	[tilespmem:s17+$0x0] =	vst v10  }
0x83: {  	s18 =	sadd.s32 $0x10, s18;
	s17 =	sadd.s32 $0x10, s17;
	(ifvalue) =	ssetifvalue $0xFFFFFFFF  }
0x84: {  	_ =	sdelay $0x3  }
0x85: {  	[hbm4b:s1+s14] =	stream.indirect_vreg.scatter [tilespmem:s31], [sflag:$0x2], $0x1, v9, vm0, $0x4038;
	[tilespmem:$0x4920] =	vst v63  }
0x86: {  	v4 =	vld [tilespmem:$0x40F0];
	_ =	sdelay $0x4  }
0x87: {  	v4 =	vshift.insert v4, v3, s20;
	_ =	sdelay $0x1  }
0x88: {  	[tilespmem:s24+$0x0] =	vst.msk $0x1, v4  }
0x89: {  	v4 =	vsel vm4, $0x1, v1;
	[tilespmem:$0x90] =	vst v7  }
0x8a: {  	[tilespmem:$0xA0] =	vst v4  }
0x8b: {  	[spmem:s12] =	stream.linear.scatter [tilespmem:s25], [sflag:$0x1], $0x1, $0x38;
	[tilespmem:$0x4920] =	vst v63  }
0x8c: {  	v4 =	vmctz.xlane vm4;
	_ =	swait.ge [sflag:s3], $0x1  }
0x8d: {  	(v2sf) =	vpush v5, $0x0  }
0x8e: {  	(v2sf) =	vpush v4, $0x0;
	_ =	sdelay $0xd  }
0x8f: {  	s0 =	spop (v2sf)  }
0x90: {  	s2 =	spop (v2sf)  }
0x91: {  	[sflag:s3] =	ssyncset.done $0x0;
	p0 =	sne.s32 s30, s0;
	p1 =	slt.s32 s2, $0xF  }
0x92: {  	[sflag:s3] =	ssyncadd.s32 $0xFFFFFFFF;
	v4 =	vimm.s32 @!p0 $0xFFFFFFFF;
	s2 =	simm.s32 @!p1 $0xF  }
0x93: {  	[tilespmem:$0x80] =	vst @!p0 v4;
	s31 =	sadd.s32 $0x90, s2  }
0x94: {  	[spmem:s10] =	stream.linear.scatter [tilespmem:s31], [sflag:$0x1], $0x1, $0x38;
	[tilespmem:$0x4920] =	vst v63  }
0x95: {  	_ =	swait.ge [sflag:s3], $0x1  }
0x96: {  	[sflag:s3] =	ssyncset.done $0x0  }
0x97: {  	[sflag:s3] =	ssyncadd.s32 $0xFFFFFFFF  }
0x98: {  	[spmem:s13] =	stream.linear.scatter [tilespmem:s26], [sflag:$0x1], $0x1, $0x38;
	[tilespmem:$0x4920] =	vst v63  }
0x99: {  	_ =	swait.ge [sflag:s3], $0x1  }
0x9a: {  	[sflag:s3] =	ssyncset.done $0x0  }
0x9b: {  	[sflag:s3] =	ssyncadd.s32 $0xFFFFFFFF;
	(ifvalue) =	ssetifvalue $0xFFFFFFFF;
	v4 =	vld [tilespmem:$0x10];
	_ =	sdelay $0x3  }
.Ltmp8:
0x9c: {  	_ = 	snop;
	(pc) =	sbr.rel .LBB2_4-.Ltmp8, $3  }
0x9d: {  	_ =	sdelay $0x1  }
0x9e: {  	(ifvalue) =	ssetifvalue $0xFFFFFFFF  }
0x9f: {  	[hbm4b:s1+s14] =	stream.indirect_vreg.scatter [tilespmem:s19], [sflag:$0x9], $0x1, v4, vm0, $0x4038;
	[tilespmem:$0x4920] =	vst v63  }
.LBB2_12:
0xa0: {  	s0 =	simm.s32 $0x2  }
0xa1: {  	_ =	swait.ge [sflag:s0], $0x800  }
0xa2: {  	[sflag:s0] =	ssyncset.done $0x0  }
0xa3: {  	s31 =	simm.s32 $0x9;
	[sflag:s0] =	ssyncadd.s32 $0xFFFFF800  }
0xa4: {  	_ =	swait.ge [sflag:s31], $0x10  }
0xa5: {  	[sflag:s31] =	ssyncset.done $0x0  }
0xa6: {  	[sflag:s31] =	ssyncadd.s32 $0xFFFFFFF0  }
.LBB2_13:
0xa7: {  	_ =	sfence.sel $0x180000  }
0xa8: {  	s0 =	simm.s32 $0x7;
	[bflag:$0x0] =	sbarrier.arrive $0xFFFF  }
0xa9: {  	s26 =	simm.s32 $0x8;
	[sflag:s0] =	ssyncpa.u1 $0x1  }
0xaa: {  	s28 =	simm.s32 $0x9;
	[sflag:s26] =	ssyncpa.u1 $0x1  }
0xab: {  	[sflag:s28] =	ssyncpa.u1 $0x1  }
0xac: {  	_ =	sfence.stream.spmem  }
0xad: {  	s29 =	simm.s32 $0x3;
	[bflag:$0x0] =	sbarrier.arrive $0xFFFF  }
0xae: {  	s30 =	simm.s32 $0x4;
	[sflag:s29] =	ssyncpa.u1 $0x1  }
0xaf: {  	s31 =	simm.s32 $0x3C;
	s2 =	stileid.u32;
	[sflag:s30] =	ssyncpa.u1 $0x1  }
0xb0: {  	p0 =	sne.s32 s2, $0x0;
	[sflag:s31] =	ssyncpa.u1 $0x1  }
0xb1: {  	s0 =	simm.s32 @p0 $0x1;
	_ =	sfence @p0  }
0xb2: {  	[sflag:s0] =	ssyncpa.u1 @p0 $0x1;
	s0 =	simm.s32 @p0 $0x2  }
0xb3: {  	[sflag:s0] =	ssyncpa.u1 @p0 $0x1  }
0xb4: {  	_ =	strace @p0 $0x90000047  }
0xb5: {  	[bflag:$0x2] =	sbarrier.arrive @p0 $0xFFFF  }
0xb6: {  	_ =	shalt @p0  }
.LBB2_14:
0xb7: {  	_ =	sfence.stream.spmem;
	s0 =	simm.s32 $0x5  }
0xb8: {  	s2 =	simm.s32 $0x80;
	s3 =	simm.s32 $0xC0;
	[sflag:s0] =	ssyncpa.u1 $0x0  }
0xb9: {  	[tilespmem:s3], [sflag:$0x5] =	stream.linear.gather [spmem:s2], $0x20, $0x38;
	[tilespmem:$0x4920] =	vst v63  }
0xba: {  	s30 =	simm.s32 $0xE0;
	s2 =	simm.s32 $0x0  }
0xbb: {  	[tilespmem:s30], [sflag:$0x5] =	stream.linear.gather [spmem:s2], $0x20, $0x38;
	[tilespmem:$0x4920] =	vst v63  }
.Ltmp9:
0xbc: {  	_ = 	snop;
	(pc) =	sbr.rel .LBB2_15-.Ltmp9, $4  }
0xbd: {  	_ =	swait.ge [sflag:s0], $0x40  }
0xbe: {  	[sflag:s0] =	ssyncset.done $0x0  }
0xbf: {  	s31 =	simm.s32 $0x6;
	[sflag:s0] =	ssyncadd.s32 $0xFFFFFFC0  }
0xc0: {  	s3 =	simm.s32 $0x0;
	[sflag:s31] =	ssyncpa.u1 $0x0  }
.LBB2_20:
0xc1: {  	p0 =	sgt.u32 s4, $0x3FFFFF  }
0xc2: {  	s0 =	sshrl.u32 @!p0 s4, $0x3  }
0xc3: {  	s4 =	sand.u32 @!p0 $0x7, s4;
	s5 =	simm.s32 @!p0 $0xB0;
	s0 =	sadd.s32 @!p0 s1, s0  }
0xc4: {  	[tilespmem:s5], [sflag:$0x6] =	stream.linear.gather @!p0 [hbm4b:s0+s4], $0x1, $0x38;
	[tilespmem:$0x4920] =	vst v63  }
0xc5: {  	s0 =	simm.s32 @!p0 $0x6  }
0xc6: {  	_ =	swait.ge @!p0 [sflag:s0], $0x1  }
0xc7: {  	[sflag:s0] =	ssyncset.done @!p0 $0x0  }
0xc8: {  	[sflag:s0] =	ssyncadd.s32 @!p0 $0xFFFFFFFF  }
0xc9: {  	v1 =	vld.msk @!p0 [tilespmem:$0xB0], $0x1  }
0xca: {  	v2 =	vld.msk @!p0 [tilespmem:s3+$0xE0], $0x1;
	_ =	sdelay $0x4  }
0xcb: {  	v1 =	vmax.f32 @!p0 v2, v1  }
0xcc: {  	[tilespmem:s3+$0xE0] =	vst.msk @!p0 $0x1, v1  }
0xcd: {  	[tilespmem:s2+$0xC0] =	vst.msk $0x1, v0  }
0xce: {  	v0 =	vld.msk [tilespmem:s3+$0xE0], $0x1;
	_ =	sdelay $0x4  }
0xcf: {  	[tilespmem:s2+$0xE0] =	vst.msk $0x1, v0;
	s2 =	sadd.s32 $0x1, s2  }
.LBB2_22:
0xd0: {  	s3 =	sadd.s32 $0x1, s3  }
0xd1: {  	p0 =	sne.s32 s3, $0x20  }
.Ltmp10:
0xd2: {  	_ = 	snop;
	(pc) =	sbr.rel @!p0 .LBB2_23-.Ltmp10, $1  }
0xd3: {  	_ =	sdelay $0x3  }
.LBB2_15:
0xd4: {  	v0 =	vld.msk [tilespmem:s3+$0xC0], $0x1;
	_ =	sdelay $0x4  }
0xd5: {  	(v2sf) =	vpush v0, $0x0;
	_ =	sdelay $0xe  }
0xd6: {  	s4 =	spop (v2sf)  }
0xd7: {  	p0 =	seq.s32 s4, $0xFFFFFFFF  }
.Ltmp11:
0xd8: {  	_ = 	snop;
	(pc) =	sbr.rel @p0 .LBB2_22-.Ltmp11, $1  }
0xd9: {  	_ =	sdelay $0x3  }
0xda: {  	p0 =	slt.s32 s2, $0x1  }
.Ltmp12:
0xdb: {  	_ = 	snop;
	(pc) =	sbr.rel @p0 .LBB2_20-.Ltmp12, $1  }
0xdc: {  	_ =	sdelay $0x3  }
0xdd: {  	s0 =	simm.s32 $0xC0;
	p0 =	por $0x0, $0x0  }
0xde: {  	v1 =	vld.msk @!p0 [tilespmem:s0+$0x0], $0x1;
	_ =	sdelay $0x4  }
0xdf: {  	(v2sf) =	vpush @!p0 v1, $0x0;
	_ =	sdelay $0xd  }
0xe0: {  	p2 =	sne.s32 s2, $0x1  }
.Ltmp13:
0xe1: {  	s5 =	spop @!p0 (v2sf);
	(pc) =	sbr.rel @!p2 .LBB2_19-.Ltmp13, $4  }
0xe2: {  	p1 =	seq.s32 @!p0 s4, s5  }
0xe3: {  	s5 =	simm.s32 $0x0;
	p1 =	por !p1, p0  }
0xe4: {  	s7 =	simm.s32 $0xFFFFFFFF;
	s5 =	simm.s32 @p1 $0xFFFFFFFF  }
0xe5: {  	s6 =	simm.s32 $0x1;
	s5 =	smov.u32 @p0 s7  }
.LBB2_18:
0xe6: {  	s7 =	smov.u32 s5;
	p0 =	sne.s32 s5, $0xFFFFFFFF  }
0xe7: {  	s0 =	sadd.s32 $0x1, s0;
	s5 =	smov.u32 s6;
	s6 =	sadd.s32 $0x1, s6  }
0xe8: {  	p1 =	sne.s32 s2, s6;
	v1 =	vld.msk @!p0 [tilespmem:s0+$0x0], $0x1;
	_ =	sdelay $0x4  }
0xe9: {  	(v2sf) =	vpush @!p0 v1, $0x0;
	_ =	sdelay $0xe  }
.Ltmp14:
0xea: {  	s8 =	spop @!p0 (v2sf);
	(pc) =	sbr.rel @p1 .LBB2_18-.Ltmp14, $4  }
0xeb: {  	p2 =	seq.s32 @!p0 s4, s8  }
0xec: {  	p2 =	por !p2, p0  }
0xed: {  	s5 =	simm.s32 @p2 $0xFFFFFFFF  }
0xee: {  	s5 =	smov.u32 @p0 s7  }
.LBB2_19:
0xef: {  	p0 =	sne.s32 s5, $0xFFFFFFFF  }
.Ltmp15:
0xf0: {  	_ = 	snop;
	(pc) =	sbr.rel @!p0 .LBB2_20-.Ltmp15, $1  }
0xf1: {  	_ =	sdelay $0x3  }
0xf2: {  	v0 =	vld.msk [tilespmem:s3+$0xE0], $0x1  }
0xf3: {  	v1 =	vld.msk [tilespmem:s5+$0xE0], $0x1;
	_ =	sdelay $0x1  }
.Ltmp16:
0xf4: {  	_ = 	snop;
	(pc) =	sbr.rel .LBB2_22-.Ltmp16, $3  }
0xf5: {  	_ =	sdelay $0x1  }
0xf6: {  	v0 =	vmax.f32 v1, v0  }
0xf7: {  	[tilespmem:s5+$0xE0] =	vst.msk $0x1, v0  }
.LBB2_23:
0xf8: {  	p0 =	slt.s32 s2, $0x1  }
.Ltmp17:
0xf9: {  	_ = 	snop;
	(pc) =	sbr.rel @p0 .LBB2_27-.Ltmp17, $3  }
0xfa: {  	_ =	sdelay $0x1  }
0xfb: {  	s0 =	simm.s32 $0x6  }
0xfc: {  	s3 =	simm.s32 $0x0;
	[sflag:s0] =	ssyncpa.u1 $0x1  }
0xfd: {  	s0 =	simm.s32 $0xC0  }
0xfe: {  	v0 =	vld.msk [tilespmem:s0+$0x0], $0x1;
	_ =	sdelay $0x4  }
0xff: {  	(v2sf) =	vpush v0, $0x0;
	_ =	sdelay $0xe  }
0x100: {  	s2 =	sadd.s32 $0xFFFFFFFF, s2;
	s4 =	spop (v2sf)  }
0x101: {  	p1 =	sne.s32 s2, $0x0;
	p0 =	sgt.u32 s4, $0x3FFFFF  }
.Ltmp18:
0x102: {  	s5 =	sshrl.u32 @!p0 s4, $0x3;
	(pc) =	sbr.rel @!p1 .LBB2_26-.Ltmp18, $4  }
0x103: {  	s0 =	simm.s32 $0xE0;
	s4 =	sand.u32 @!p0 $0x7, s4;
	s5 =	sadd.s32 @!p0 s1, s5  }
0x104: {  	[hbm4b:s5+s4] =	stream.linear.scatter @!p0 [tilespmem:s0], [sflag:$0x5], $0x1, $0x38;
	[tilespmem:$0x4920] =	vst v63  }
0x105: {  	s5 =	simm.s32 $0x0  }
0x106: {  	s4 =	simm.s32 $0xC1;
	s5 =	simm.s32 @!p0 $0x4  }
.LBB2_25:
0x107: {  	v0 =	vld.msk [tilespmem:s4+$0x0], $0x1;
	s2 =	sadd.s32 $0xFFFFFFFF, s2;
	s3 =	sadd.s32 s3, s5  }
0x108: {  	p0 =	sne.s32 s2, $0x0;
	_ =	sdelay $0x3  }
0x109: {  	(v2sf) =	vpush v0, $0x0;
	_ =	sdelay $0xe  }
.Ltmp19:
0x10a: {  	s6 =	spop (v2sf);
	(pc) =	sbr.rel @p0 .LBB2_25-.Ltmp19, $4  }
0x10b: {  	s5 =	simm.s32 $0x0;
	p1 =	sgt.u32 s6, $0x3FFFFF  }
0x10c: {  	s0 =	sadd.s32 $0x1, s0;
	s5 =	simm.s32 @!p1 $0x4;
	s7 =	sshrl.u32 @!p1 s6, $0x3  }
0x10d: {  	s4 =	sadd.s32 $0x1, s4;
	s6 =	sand.u32 @!p1 $0x7, s6;
	s7 =	sadd.s32 @!p1 s1, s7  }
0x10e: {  	[hbm4b:s7+s6] =	stream.linear.scatter @!p1 [tilespmem:s0], [sflag:$0x5], $0x1, $0x38;
	[tilespmem:$0x4920] =	vst v63  }
.LBB2_26:
0x10f: {  	s0 =	sadd.s32 s3, s5  }
0x110: {  	s3 =	sshrl.u32 s0, $0x2  }
.LBB2_27:
0x111: {  	s0 =	simm.s32 $0x5  }
0x112: {  	_ =	swait.ge [sflag:s0], s3  }
0x113: {  	s1 =	ssub.s32 $0x0, s3;
	[sflag:s0] =	ssyncset.done $0x0  }
0x114: {  	[sflag:s0] =	ssyncadd.s32 s1  }
0x115: {  	[sflag:s0] =	ssyncpa.u1 $0x1  }
0x116: {  	s29 =	simm.s32 $0x1;
	_ =	sfence  }
0x117: {  	s30 =	simm.s32 $0x2;
	[sflag:s29] =	ssyncpa.u1 $0x1  }
0x118: {  	[sflag:s30] =	ssyncpa.u1 $0x1  }
0x119: {  	_ =	strace $0x90000047  }
0x11a: {  	[bflag:$0x2] =	sbarrier.arrive $0xFFFF  }
0x11b: {  	s31 =	rddreg [dreg:$0x1]  }
0x11c: {  	s0 =	sadd.s32 $0x100000, s31  }
0x11d: {  	[sflag:s0] =	ssyncadd.tile.s32 $0x1;
	_ =	shalt  }
.Lfunc_end2:
_tile_overlayer_lowered:
.L_overlay_start_2:
0x11e: {  	(tag) =	ssettag $0x2  }
0x11f: {  	s0 =	rddreg [dreg:$0x0];
	s2 =	stileid.u32  }
0x120: {  	s1 =	rddreg [dreg:$0x1];
	p0 =	sne.s32 s2, $0x0  }
0x121: {  	s3 =	rddreg [dreg:$0x2];
	[bflag:$0x3] =	sbarrier.arrive $0xFFFF;
	s2 =	simm.s32 @!p0 $0x1C01  }
0x122: {  	[timem:s3], [sflag:s2] =	dma.local @!p0 [hbm:s0], s1  }
0x123: {  	s0 =	simm.s32 @!p0 $0x1  }
0x124: {  	_ =	swait.ge @!p0 [sflag:s0], s1  }
0x125: {  	s1 =	ssub.s32 @!p0 $0x0, s1;
	[sflag:s0] =	ssyncset.done @!p0 $0x0  }
0x126: {  	[sflag:s0] =	ssyncadd.s32 @!p0 s1  }
0x127: {  	[bflag:$0x3] =	sbarrier.arrive $0xFFFF  }
0x128: {  	_ =	shalt  }

</sc_bundles>
